<compile_context>
chip_gen: v7x
topology: tpu7x:2x2x1
jax: 0.10.2.dev20260603
libtpu: 0.0.44.dev20260713+nightly
codegen_flags: <defaults>
</compile_context>

<pallas_src>
import jax
import jax.numpy as jnp
from jax import lax
from jax.experimental import pallas as pl
from jax.experimental.pallas import tpu as pltpu
from jax.experimental.pallas import tpu_sc as plsc

_CHUNK = 128
_LANES = 16


def _prefix_body(st_ref, starts_ref, ends_ref, w_ref, pex_ref, inv_ref,
                 gs_ref, ge_ref):
    st = st_ref[0]
    T, D = st.shape
    e_chunks = []
    for ci in range(T // _CHUNK):
        stc = st[ci * _CHUNK:(ci + 1) * _CHUNK]
        lc = jnp.dot(stc, w_ref[:, 0:1], preferred_element_type=jnp.float32)
        e_chunks.append(jnp.exp(lc))
    e = jnp.concatenate(e_chunks, axis=0)

    starts = starts_ref[0, 0]
    ends = ends_ref[0, 0]
    S = starts.shape[0]
    pid = pl.program_id(0)
    gs_ref[0, 0] = starts + pid * T
    ge_ref[0, 0] = ends + 1 + pid * T

    t_idx = lax.broadcasted_iota(jnp.int32, (S, T), 1)
    in_span = (t_idx >= starts[:, None]) & (t_idx <= ends[:, None])
    denom = jnp.dot(in_span.astype(jnp.float32), e,
                    preferred_element_type=jnp.float32)
    inv_ref[0] = jnp.broadcast_to(1.0 / denom, (S, _LANES))

    r = lax.broadcasted_iota(jnp.int32, (_CHUNK, _CHUNK), 0)
    c = lax.broadcasted_iota(jnp.int32, (_CHUNK, _CHUNK), 1)
    ltri = (c < r).astype(jnp.float32)
    carry = jnp.zeros((1, D), jnp.float32)
    for ci in range(T // _CHUNK):
        sl = slice(ci * _CHUNK, (ci + 1) * _CHUNK)
        fc = st[sl] * e_chunks[ci]
        pex_ref[0, sl, :] = jnp.dot(ltri, fc, preferred_element_type=jnp.float32) + carry
        carry = carry + jnp.sum(fc, axis=0, keepdims=True)


def _make_sc_combine(B, T, D, NSPAN):
    try:
        info = plsc.get_sparse_core_info()
        NC, NS = info.num_cores, info.num_subcores
    except ValueError:
        NC, NS = 2, 16
    NW = NC * NS
    SPW = NSPAN // NW

    def body(pex_hbm, invr_hbm, gs_hbm, ge_hbm, out_hbm,
             gs_v, ge_v, invb_v, rows_s, rows_e, out_v, sem_s, sem_e):
        cid = lax.axis_index("c")
        sid = lax.axis_index("s")
        wid = sid * NC + cid
        base = wid * SPW
        pltpu.sync_copy(gs_hbm.at[pl.ds(base, SPW)], gs_v)
        pltpu.sync_copy(ge_hbm.at[pl.ds(base, SPW)], ge_v)
        cp_e = pltpu.async_copy(pex_hbm.at[ge_v], rows_e, sem_e)
        cp_s = pltpu.async_copy(pex_hbm.at[gs_v], rows_s, sem_s)
        pltpu.sync_copy(invr_hbm.at[pl.ds(base * _LANES, SPW * _LANES)], invb_v)
        cp_e.wait()
        cp_s.wait()

        def span_body(j, carry):
            invb = invb_v[pl.ds(j * _LANES, _LANES)]
            for k in range(D // _LANES):
                sl = pl.ds(k * _LANES, _LANES)
                out_v[j, sl] = (rows_e[j, sl] - rows_s[j, sl]) * invb
            return carry

        lax.fori_loop(0, SPW, span_body, 0)
        pltpu.sync_copy(out_v, out_hbm.at[pl.ds(base, SPW)])

    return pl.kernel(
        body,
        out_type=jax.ShapeDtypeStruct((NSPAN, D), jnp.float32),
        mesh=plsc.VectorSubcoreMesh(core_axis_name="c", subcore_axis_name="s",
                                    num_cores=NC, num_subcores=NS),
        scratch_types=[
            pltpu.VMEM((SPW,), jnp.int32),
            pltpu.VMEM((SPW,), jnp.int32),
            pltpu.VMEM((SPW * _LANES,), jnp.float32),
            pltpu.VMEM((SPW, D), jnp.float32),
            pltpu.VMEM((SPW, D), jnp.float32),
            pltpu.VMEM((SPW, D), jnp.float32),
            pltpu.SemaphoreType.DMA,
            pltpu.SemaphoreType.DMA,
        ],
    )


def kernel(sentence_tensor, sentence_indices, W, b):
    B, T, D = sentence_tensor.shape
    S = sentence_indices.shape[1]
    NSPAN = B * S
    starts = sentence_indices[..., 0].astype(jnp.int32)
    ends = sentence_indices[..., 1].astype(jnp.int32)

    pex, inv, gs, ge = pl.pallas_call(
        _prefix_body,
        grid=(B,),
        in_specs=[
            pl.BlockSpec((1, T, D), lambda i: (i, 0, 0)),
            pl.BlockSpec((1, 1, S), lambda i: (i, 0, 0)),
            pl.BlockSpec((1, 1, S), lambda i: (i, 0, 0)),
            pl.BlockSpec((D, 1), lambda i: (0, 0)),
        ],
        out_specs=[
            pl.BlockSpec((1, T, D), lambda i: (i, 0, 0)),
            pl.BlockSpec((1, S, _LANES), lambda i: (i, 0, 0)),
            pl.BlockSpec((1, 1, S), lambda i: (i, 0, 0)),
            pl.BlockSpec((1, 1, S), lambda i: (i, 0, 0)),
        ],
        out_shape=[
            jax.ShapeDtypeStruct((B, T, D), jnp.float32),
            jax.ShapeDtypeStruct((B, S, _LANES), jnp.float32),
            jax.ShapeDtypeStruct((B, 1, S), jnp.int32),
            jax.ShapeDtypeStruct((B, 1, S), jnp.int32),
        ],
    )(sentence_tensor, starts.reshape(B, 1, S), ends.reshape(B, 1, S), W)

    sc = _make_sc_combine(B, T, D, NSPAN)
    out = sc(pex.reshape(B * T, D), inv.reshape(NSPAN * _LANES),
             gs.reshape(NSPAN), ge.reshape(NSPAN))
    return out.reshape(B, S, D)

# --- scband reference (transcript-rebuilt; emitter-appended) ---
"""Pipeline reference for scband-self-attentive-sentence-extractor-53523882443267 (READ-ONLY COPY).

The authoritative reference and input builder live on the scoring server;
editing this copy changes nothing except your own understanding.
"""

import jax, jax.numpy as jnp
import numpy as np


def setup_inputs(seed: int = 0) -> dict:
    key = jax.random.key(seed)
    k1, k2, k3, k4 = jax.random.split(key, 4)
    B, S, T, D = 8, 128, 2048, 512
    max_width = 64
    sentence_tensor = jax.random.normal(k1, (B, T, D), dtype=jnp.float32)
    starts = jax.random.randint(k2, (B, S, 1), 0, T - max_width)
    widths = jax.random.randint(k3, (B, S, 1), 0, max_width)
    sentence_indices = jnp.concatenate([starts, starts + widths], axis=-1)
    W = jax.random.normal(k4, (D, 1), dtype=jnp.float32) * 0.02
    b = jnp.zeros((1,), dtype=jnp.float32)
    return {"sentence_tensor": sentence_tensor, "sentence_indices": sentence_indices, "W": W, "b": b}


def _masked_last_dim_softmax(vector, mask, valid=None):
    # old allennlp util.last_dim_softmax / masked_softmax semantics
    x = vector * mask
    if valid is not None:
        x = jnp.where(valid, x, -jnp.inf)
    result = jax.nn.softmax(x, axis=-1)
    result = result * mask
    result = result / (jnp.sum(result, axis=-1, keepdims=True) + 1e-13)
    return result


def reference(sentence_tensor, sentence_indices, W, b):
    B, T, D = sentence_tensor.shape
    span_starts = sentence_indices[..., 0:1]
    span_ends = sentence_indices[..., 1:2]
    span_widths = span_ends - span_starts
    max_batch_span_width = jnp.max(span_widths) + 1
    padded_span_width = 64
    # TimeDistributed(Linear(D, 1))
    global_attention_logits = sentence_tensor @ W + b  # [B, T, 1]
    max_span_range_indices = jnp.arange(padded_span_width).reshape(1, 1, -1)
    valid = max_span_range_indices < max_batch_span_width
    span_mask = (max_span_range_indices <= span_widths).astype(jnp.float32)
    raw_span_indices = span_ends - max_span_range_indices
    span_mask = span_mask * (raw_span_indices >= 0).astype(jnp.float32)
    span_indices = jnp.maximum(raw_span_indices, 0)  # relu then long
    # batched_index_select
    batch_idx = jnp.arange(B).reshape(B, 1, 1)
    span_embeddings = sentence_tensor[batch_idx, span_indices]  # [B, S, W, D]
    span_attention_logits = global_attention_logits[batch_idx, span_indices].squeeze(-1)  # [B, S, W]
    span_attention_weights = _masked_last_dim_softmax(span_attention_logits, span_mask, valid)
    attended_text_embeddings = jnp.sum(span_embeddings * span_attention_weights[..., None], axis=2)
    return attended_text_embeddings


if False:  # reference __main__ guard neutralized (emitter)
    out = reference(**setup_inputs())
    print(out.shape, out.dtype)

if __name__ == "__main__":
    import jax
    _d = setup_inputs()
    print(jax.jit(kernel)(*tuple(_d.values())))

</pallas_src>

<mosaic_0001>
#map = affine_map<(d0, d1) -> (0, 0)>
#map1 = affine_map<(d0, d1) -> (0)>
module attributes {stable_mosaic.version = 14 : i64} {
  func.func @body(%arg0: i32, %arg1: i32, %arg2: memref<16384x512xf32, #tpu.memory_space<hbm>>, %arg3: memref<16384xf32, #tpu.memory_space<hbm>>, %arg4: memref<1024xi32, #tpu.memory_space<hbm>>, %arg5: memref<1024xi32, #tpu.memory_space<hbm>>, %arg6: memref<1024x512xf32, #tpu.memory_space<hbm>>, %arg7: memref<32xi32, #tpu.memory_space<vmem>>, %arg8: memref<32xi32, #tpu.memory_space<vmem>>, %arg9: memref<512xf32, #tpu.memory_space<vmem>>, %arg10: memref<32x512xf32, #tpu.memory_space<vmem>>, %arg11: memref<32x512xf32, #tpu.memory_space<vmem>>, %arg12: memref<32x512xf32, #tpu.memory_space<vmem>>, %arg13: memref<!tpu.dma_semaphore, #tpu.memory_space<semaphore_mem>>, %arg14: memref<!tpu.dma_semaphore, #tpu.memory_space<semaphore_mem>>) attributes {dimension_semantics = [#tpu.dimension_semantics<core_parallel>, #tpu.dimension_semantics<subcore_parallel>], iteration_bounds = array<i64: 2, 16>, scalar_prefetch = 0 : i64, scratch_operands = 8 : i64, tpu.core_type = #tpu.core_type<sc_vector_subcore>, window_params = [{transform_indices = #map}, {transform_indices = #map1}, {transform_indices = #map1}, {transform_indices = #map1}, {transform_indices = #map}]} {
    %mul3A = arith.constant 2 : i32
    %mul3A_0 = arith.muli %arg1, %mul3A : i32
    %add3A = arith.addi %mul3A_0, %arg0 : i32
    %mul3A_1 = arith.constant 32 : i32
    %mul3A_2 = arith.muli %add3A, %mul3A_1 : i32
    "tpu.region"() ({
      %run_scoped3A = tpu.sem_alloc : memref<!tpu.dma_semaphore, #tpu.memory_space<semaphore_mem>>
      %dma_start3A_20 = tpu.memref_slice %arg4[%mul3A_2] : memref<1024xi32, #tpu.memory_space<hbm>> -> memref<32xi32, #tpu.memory_space<hbm>>
      %dma_start3A_21 = tpu.memref_slice %arg4[%mul3A_2] : memref<1024xi32, #tpu.memory_space<hbm>> -> memref<32xi32, #tpu.memory_space<hbm>>
      tpu.enqueue_dma source(%dma_start3A_21 : memref<32xi32, #tpu.memory_space<hbm>>) target(%arg7 : memref<32xi32, #tpu.memory_space<vmem>>) target_semaphore(%run_scoped3A : memref<!tpu.dma_semaphore, #tpu.memory_space<semaphore_mem>>)
      %dma_wait3A_22 = tpu.memref_slice %arg4[%mul3A_2] : memref<1024xi32, #tpu.memory_space<hbm>> -> memref<32xi32, #tpu.memory_space<hbm>>
      %dma_wait3A_23 = tpu.memref_slice %arg4[%mul3A_2] : memref<1024xi32, #tpu.memory_space<hbm>> -> memref<32xi32, #tpu.memory_space<hbm>>
      tpu.wait_dma2 semaphore(%run_scoped3A : memref<!tpu.dma_semaphore, #tpu.memory_space<semaphore_mem>>) src(%dma_wait3A_23 : memref<32xi32, #tpu.memory_space<hbm>>) dst(%arg7 : memref<32xi32, #tpu.memory_space<vmem>>)
      tpu.yield
    }) : () -> ()
    "tpu.region"() ({
      %run_scoped3A = tpu.sem_alloc : memref<!tpu.dma_semaphore, #tpu.memory_space<semaphore_mem>>
      %dma_start3A_20 = tpu.memref_slice %arg5[%mul3A_2] : memref<1024xi32, #tpu.memory_space<hbm>> -> memref<32xi32, #tpu.memory_space<hbm>>
      %dma_start3A_21 = tpu.memref_slice %arg5[%mul3A_2] : memref<1024xi32, #tpu.memory_space<hbm>> -> memref<32xi32, #tpu.memory_space<hbm>>
      tpu.enqueue_dma source(%dma_start3A_21 : memref<32xi32, #tpu.memory_space<hbm>>) target(%arg8 : memref<32xi32, #tpu.memory_space<vmem>>) target_semaphore(%run_scoped3A : memref<!tpu.dma_semaphore, #tpu.memory_space<semaphore_mem>>)
      %dma_wait3A_22 = tpu.memref_slice %arg5[%mul3A_2] : memref<1024xi32, #tpu.memory_space<hbm>> -> memref<32xi32, #tpu.memory_space<hbm>>
      %dma_wait3A_23 = tpu.memref_slice %arg5[%mul3A_2] : memref<1024xi32, #tpu.memory_space<hbm>> -> memref<32xi32, #tpu.memory_space<hbm>>
      tpu.wait_dma2 semaphore(%run_scoped3A : memref<!tpu.dma_semaphore, #tpu.memory_space<semaphore_mem>>) src(%dma_wait3A_23 : memref<32xi32, #tpu.memory_space<hbm>>) dst(%arg8 : memref<32xi32, #tpu.memory_space<vmem>>)
      tpu.yield
    }) : () -> ()
    %dma_start3A = arith.constant 0 : i32
    %dma_start3A_3 = arith.constant 0 : i32
    %dma_start3A_4 = tpu.memref_slice %arg2[%dma_start3A, %dma_start3A_3] : memref<16384x512xf32, #tpu.memory_space<hbm>> -> memref<16384x512xf32, #tpu.memory_space<hbm>>
    tpu.enqueue_indirect_dma source(%dma_start3A_4 : memref<16384x512xf32, #tpu.memory_space<hbm>>) target(%arg11 : memref<32x512xf32, #tpu.memory_space<vmem>>) offsets(%arg8 : memref<32xi32, #tpu.memory_space<vmem>>) semaphore(%arg14 : memref<!tpu.dma_semaphore, #tpu.memory_space<semaphore_mem>>)
    %dma_start3A_5 = arith.constant 0 : i32
    %dma_start3A_6 = arith.constant 0 : i32
    %dma_start3A_7 = tpu.memref_slice %arg2[%dma_start3A_5, %dma_start3A_6] : memref<16384x512xf32, #tpu.memory_space<hbm>> -> memref<16384x512xf32, #tpu.memory_space<hbm>>
    tpu.enqueue_indirect_dma source(%dma_start3A_7 : memref<16384x512xf32, #tpu.memory_space<hbm>>) target(%arg10 : memref<32x512xf32, #tpu.memory_space<vmem>>) offsets(%arg7 : memref<32xi32, #tpu.memory_space<vmem>>) semaphore(%arg13 : memref<!tpu.dma_semaphore, #tpu.memory_space<semaphore_mem>>)
    %mul3A_8 = arith.constant 16 : i32
    %mul3A_9 = arith.muli %mul3A_2, %mul3A_8 : i32
    "tpu.region"() ({
      %run_scoped3A = tpu.sem_alloc : memref<!tpu.dma_semaphore, #tpu.memory_space<semaphore_mem>>
      %dma_start3A_20 = tpu.memref_slice %arg3[%mul3A_9] : memref<16384xf32, #tpu.memory_space<hbm>> -> memref<512xf32, #tpu.memory_space<hbm>>
      %dma_start3A_21 = tpu.memref_slice %arg3[%mul3A_9] : memref<16384xf32, #tpu.memory_space<hbm>> -> memref<512xf32, #tpu.memory_space<hbm>>
      tpu.enqueue_dma source(%dma_start3A_21 : memref<512xf32, #tpu.memory_space<hbm>>) target(%arg9 : memref<512xf32, #tpu.memory_space<vmem>>) target_semaphore(%run_scoped3A : memref<!tpu.dma_semaphore, #tpu.memory_space<semaphore_mem>>)
      %dma_wait3A_22 = tpu.memref_slice %arg3[%mul3A_9] : memref<16384xf32, #tpu.memory_space<hbm>> -> memref<512xf32, #tpu.memory_space<hbm>>
      %dma_wait3A_23 = tpu.memref_slice %arg3[%mul3A_9] : memref<16384xf32, #tpu.memory_space<hbm>> -> memref<512xf32, #tpu.memory_space<hbm>>
      tpu.wait_dma2 semaphore(%run_scoped3A : memref<!tpu.dma_semaphore, #tpu.memory_space<semaphore_mem>>) src(%dma_wait3A_23 : memref<512xf32, #tpu.memory_space<hbm>>) dst(%arg9 : memref<512xf32, #tpu.memory_space<vmem>>)
      tpu.yield
    }) : () -> ()
    %dma_wait3A = arith.constant 0 : i32
    %dma_wait3A_10 = arith.constant 0 : i32
    %dma_wait3A_11 = tpu.memref_slice %arg2[%dma_wait3A, %dma_wait3A_10] : memref<16384x512xf32, #tpu.memory_space<hbm>> -> memref<16384x512xf32, #tpu.memory_space<hbm>>
    tpu.wait_indirect_dma semaphore(%arg14 : memref<!tpu.dma_semaphore, #tpu.memory_space<semaphore_mem>>) src(%dma_wait3A_11 : memref<16384x512xf32, #tpu.memory_space<hbm>>) dst(%arg11 : memref<32x512xf32, #tpu.memory_space<vmem>>)
    %dma_wait3A_12 = arith.constant 0 : i32
    %dma_wait3A_13 = arith.constant 0 : i32
    %dma_wait3A_14 = tpu.memref_slice %arg2[%dma_wait3A_12, %dma_wait3A_13] : memref<16384x512xf32, #tpu.memory_space<hbm>> -> memref<16384x512xf32, #tpu.memory_space<hbm>>
    tpu.wait_indirect_dma semaphore(%arg13 : memref<!tpu.dma_semaphore, #tpu.memory_space<semaphore_mem>>) src(%dma_wait3A_14 : memref<16384x512xf32, #tpu.memory_space<hbm>>) dst(%arg10 : memref<32x512xf32, #tpu.memory_space<vmem>>)
    %scan3A = arith.constant 0 : i32
    %scan3A_15 = arith.constant 0 : i32
    %scan3A_16 = arith.constant 32 : i32
    %scan3A_17 = arith.addi %scan3A_15, %scan3A_16 : i32
    %scan3A_18 = arith.constant 1 : i32
    scf.for %scan3A_20 = %scan3A_15 to %scan3A_17 step %scan3A_18  : i32 {
      %mul3A_21 = arith.constant 16 : i32
      %mul3A_22 = arith.muli %scan3A_20, %mul3A_21 : i32
      %get3A = arith.index_cast %mul3A_22 : i32 to index
      %get3A_23 = tpu.vector_load %arg9[%get3A] {strides = array<i32>} : memref<512xf32, #tpu.memory_space<vmem>>, vector<16xf32>,
      %get3A_24 = vector.shape_cast %get3A_23 : vector<16xf32> to vector<16xf32>
      %get3A_25 = arith.index_cast %scan3A_20 : i32 to index
      %get3A_26 = arith.constant 0 : index
      %get3A_27 = tpu.vector_load %arg11[%get3A_25, %get3A_26] {strides = array<i32>} : memref<32x512xf32, #tpu.memory_space<vmem>>, vector<1x16xf32>,
      %get3A_28 = vector.shape_cast %get3A_27 : vector<1x16xf32> to vector<16xf32>
      %get3A_29 = arith.index_cast %scan3A_20 : i32 to index
      %get3A_30 = arith.constant 0 : index
      %get3A_31 = tpu.vector_load %arg10[%get3A_29, %get3A_30] {strides = array<i32>} : memref<32x512xf32, #tpu.memory_space<vmem>>, vector<1x16xf32>,
      %get3A_32 = vector.shape_cast %get3A_31 : vector<1x16xf32> to vector<16xf32>
      %sub3A = arith.subf %get3A_28, %get3A_32 : vector<16xf32>
      %mul3A_33 = arith.mulf %sub3A, %get3A_24 : vector<16xf32>
      %swap3A = arith.index_cast %scan3A_20 : i32 to index
      %swap3A_34 = arith.constant 0 : index
      %swap3A_35 = tpu.vector_load %arg12[%swap3A, %swap3A_34] {strides = array<i32>} : memref<32x512xf32, #tpu.memory_space<vmem>>, vector<1x16xf32>,
      %swap3A_36 = vector.shape_cast %swap3A_35 : vector<1x16xf32> to vector<16xf32>
      %swap3A_37 = vector.shape_cast %mul3A_33 : vector<16xf32> to vector<1x16xf32>
      tpu.vector_store %arg12[%swap3A, %swap3A_34], %swap3A_37 {strides = array<i32>} : memref<32x512xf32, #tpu.memory_space<vmem>>, vector<1x16xf32>,
      %get3A_38 = arith.index_cast %scan3A_20 : i32 to index
      %get3A_39 = arith.constant 16 : index
      %get3A_40 = tpu.vector_load %arg11[%get3A_38, %get3A_39] {strides = array<i32>} : memref<32x512xf32, #tpu.memory_space<vmem>>, vector<1x16xf32>,
      %get3A_41 = vector.shape_cast %get3A_40 : vector<1x16xf32> to vector<16xf32>
      %get3A_42 = arith.index_cast %scan3A_20 : i32 to index
      %get3A_43 = arith.constant 16 : index
      %get3A_44 = tpu.vector_load %arg10[%get3A_42, %get3A_43] {strides = array<i32>} : memref<32x512xf32, #tpu.memory_space<vmem>>, vector<1x16xf32>,
      %get3A_45 = vector.shape_cast %get3A_44 : vector<1x16xf32> to vector<16xf32>
      %sub3A_46 = arith.subf %get3A_41, %get3A_45 : vector<16xf32>
      %mul3A_47 = arith.mulf %sub3A_46, %get3A_24 : vector<16xf32>
      %swap3A_48 = arith.index_cast %scan3A_20 : i32 to index
      %swap3A_49 = arith.constant 16 : index
      %swap3A_50 = tpu.vector_load %arg12[%swap3A_48, %swap3A_49] {strides = array<i32>} : memref<32x512xf32, #tpu.memory_space<vmem>>, vector<1x16xf32>,
      %swap3A_51 = vector.shape_cast %swap3A_50 : vector<1x16xf32> to vector<16xf32>
      %swap3A_52 = vector.shape_cast %mul3A_47 : vector<16xf32> to vector<1x16xf32>
      tpu.vector_store %arg12[%swap3A_48, %swap3A_49], %swap3A_52 {strides = array<i32>} : memref<32x512xf32, #tpu.memory_space<vmem>>, vector<1x16xf32>,
      %get3A_53 = arith.index_cast %scan3A_20 : i32 to index
      %get3A_54 = arith.constant 32 : index
      %get3A_55 = tpu.vector_load %arg11[%get3A_53, %get3A_54] {strides = array<i32>} : memref<32x512xf32, #tpu.memory_space<vmem>>, vector<1x16xf32>,
      %get3A_56 = vector.shape_cast %get3A_55 : vector<1x16xf32> to vector<16xf32>
      %get3A_57 = arith.index_cast %scan3A_20 : i32 to index
      %get3A_58 = arith.constant 32 : index
      %get3A_59 = tpu.vector_load %arg10[%get3A_57, %get3A_58] {strides = array<i32>} : memref<32x512xf32, #tpu.memory_space<vmem>>, vector<1x16xf32>,
      %get3A_60 = vector.shape_cast %get3A_59 : vector<1x16xf32> to vector<16xf32>
      %sub3A_61 = arith.subf %get3A_56, %get3A_60 : vector<16xf32>
      %mul3A_62 = arith.mulf %sub3A_61, %get3A_24 : vector<16xf32>
      %swap3A_63 = arith.index_cast %scan3A_20 : i32 to index
      %swap3A_64 = arith.constant 32 : index
      %swap3A_65 = tpu.vector_load %arg12[%swap3A_63, %swap3A_64] {strides = array<i32>} : memref<32x512xf32, #tpu.memory_space<vmem>>, vector<1x16xf32>,
      %swap3A_66 = vector.shape_cast %swap3A_65 : vector<1x16xf32> to vector<16xf32>
      %swap3A_67 = vector.shape_cast %mul3A_62 : vector<16xf32> to vector<1x16xf32>
      tpu.vector_store %arg12[%swap3A_63, %swap3A_64], %swap3A_67 {strides = array<i32>} : memref<32x512xf32, #tpu.memory_space<vmem>>, vector<1x16xf32>,
      %get3A_68 = arith.index_cast %scan3A_20 : i32 to index
      %get3A_69 = arith.constant 48 : index
      %get3A_70 = tpu.vector_load %arg11[%get3A_68, %get3A_69] {strides = array<i32>} : memref<32x512xf32, #tpu.memory_space<vmem>>, vector<1x16xf32>,
      %get3A_71 = vector.shape_cast %get3A_70 : vector<1x16xf32> to vector<16xf32>
      %get3A_72 = arith.index_cast %scan3A_20 : i32 to index
      %get3A_73 = arith.constant 48 : index
      %get3A_74 = tpu.vector_load %arg10[%get3A_72, %get3A_73] {strides = array<i32>} : memref<32x512xf32, #tpu.memory_space<vmem>>, vector<1x16xf32>,
      %get3A_75 = vector.shape_cast %get3A_74 : vector<1x16xf32> to vector<16xf32>
      %sub3A_76 = arith.subf %get3A_71, %get3A_75 : vector<16xf32>
      %mul3A_77 = arith.mulf %sub3A_76, %get3A_24 : vector<16xf32>
      %swap3A_78 = arith.index_cast %scan3A_20 : i32 to index
      %swap3A_79 = arith.constant 48 : index
      %swap3A_80 = tpu.vector_load %arg12[%swap3A_78, %swap3A_79] {strides = array<i32>} : memref<32x512xf32, #tpu.memory_space<vmem>>, vector<1x16xf32>,
      %swap3A_81 = vector.shape_cast %swap3A_80 : vector<1x16xf32> to vector<16xf32>
      %swap3A_82 = vector.shape_cast %mul3A_77 : vector<16xf32> to vector<1x16xf32>
      tpu.vector_store %arg12[%swap3A_78, %swap3A_79], %swap3A_82 {strides = array<i32>} : memref<32x512xf32, #tpu.memory_space<vmem>>, vector<1x16xf32>,
      %get3A_83 = arith.index_cast %scan3A_20 : i32 to index
      %get3A_84 = arith.constant 64 : index
      %get3A_85 = tpu.vector_load %arg11[%get3A_83, %get3A_84] {strides = array<i32>} : memref<32x512xf32, #tpu.memory_space<vmem>>, vector<1x16xf32>,
      %get3A_86 = vector.shape_cast %get3A_85 : vector<1x16xf32> to vector<16xf32>
      %get3A_87 = arith.index_cast %scan3A_20 : i32 to index
      %get3A_88 = arith.constant 64 : index
      %get3A_89 = tpu.vector_load %arg10[%get3A_87, %get3A_88] {strides = array<i32>} : memref<32x512xf32, #tpu.memory_space<vmem>>, vector<1x16xf32>,
      %get3A_90 = vector.shape_cast %get3A_89 : vector<1x16xf32> to vector<16xf32>
      %sub3A_91 = arith.subf %get3A_86, %get3A_90 : vector<16xf32>
      %mul3A_92 = arith.mulf %sub3A_91, %get3A_24 : vector<16xf32>
      %swap3A_93 = arith.index_cast %scan3A_20 : i32 to index
      %swap3A_94 = arith.constant 64 : index
      %swap3A_95 = tpu.vector_load %arg12[%swap3A_93, %swap3A_94] {strides = array<i32>} : memref<32x512xf32, #tpu.memory_space<vmem>>, vector<1x16xf32>,
      %swap3A_96 = vector.shape_cast %swap3A_95 : vector<1x16xf32> to vector<16xf32>
      %swap3A_97 = vector.shape_cast %mul3A_92 : vector<16xf32> to vector<1x16xf32>
      tpu.vector_store %arg12[%swap3A_93, %swap3A_94], %swap3A_97 {strides = array<i32>} : memref<32x512xf32, #tpu.memory_space<vmem>>, vector<1x16xf32>,
      %get3A_98 = arith.index_cast %scan3A_20 : i32 to index
      %get3A_99 = arith.constant 80 : index
      %get3A_100 = tpu.vector_load %arg11[%get3A_98, %get3A_99] {strides = array<i32>} : memref<32x512xf32, #tpu.memory_space<vmem>>, vector<1x16xf32>,
      %get3A_101 = vector.shape_cast %get3A_100 : vector<1x16xf32> to vector<16xf32>
      %get3A_102 = arith.index_cast %scan3A_20 : i32 to index
      %get3A_103 = arith.constant 80 : index
      %get3A_104 = tpu.vector_load %arg10[%get3A_102, %get3A_103] {strides = array<i32>} : memref<32x512xf32, #tpu.memory_space<vmem>>, vector<1x16xf32>,
      %get3A_105 = vector.shape_cast %get3A_104 : vector<1x16xf32> to vector<16xf32>
      %sub3A_106 = arith.subf %get3A_101, %get3A_105 : vector<16xf32>
      %mul3A_107 = arith.mulf %sub3A_106, %get3A_24 : vector<16xf32>
      %swap3A_108 = arith.index_cast %scan3A_20 : i32 to index
      %swap3A_109 = arith.constant 80 : index
      %swap3A_110 = tpu.vector_load %arg12[%swap3A_108, %swap3A_109] {strides = array<i32>} : memref<32x512xf32, #tpu.memory_space<vmem>>, vector<1x16xf32>,
      %swap3A_111 = vector.shape_cast %swap3A_110 : vector<1x16xf32> to vector<16xf32>
      %swap3A_112 = vector.shape_cast %mul3A_107 : vector<16xf32> to vector<1x16xf32>
      tpu.vector_store %arg12[%swap3A_108, %swap3A_109], %swap3A_112 {strides = array<i32>} : memref<32x512xf32, #tpu.memory_space<vmem>>, vector<1x16xf32>,
      %get3A_113 = arith.index_cast %scan3A_20 : i32 to index
      %get3A_114 = arith.constant 96 : index
      %get3A_115 = tpu.vector_load %arg11[%get3A_113, %get3A_114] {strides = array<i32>} : memref<32x512xf32, #tpu.memory_space<vmem>>, vector<1x16xf32>,
      %get3A_116 = vector.shape_cast %get3A_115 : vector<1x16xf32> to vector<16xf32>
      %get3A_117 = arith.index_cast %scan3A_20 : i32 to index
      %get3A_118 = arith.constant 96 : index
      %get3A_119 = tpu.vector_load %arg10[%get3A_117, %get3A_118] {strides = array<i32>} : memref<32x512xf32, #tpu.memory_space<vmem>>, vector<1x16xf32>,
      %get3A_120 = vector.shape_cast %get3A_119 : vector<1x16xf32> to vector<16xf32>
      %sub3A_121 = arith.subf %get3A_116, %get3A_120 : vector<16xf32>
      %mul3A_122 = arith.mulf %sub3A_121, %get3A_24 : vector<16xf32>
      %swap3A_123 = arith.index_cast %scan3A_20 : i32 to index
      %swap3A_124 = arith.constant 96 : index
      %swap3A_125 = tpu.vector_load %arg12[%swap3A_123, %swap3A_124] {strides = array<i32>} : memref<32x512xf32, #tpu.memory_space<vmem>>, vector<1x16xf32>,
      %swap3A_126 = vector.shape_cast %swap3A_125 : vector<1x16xf32> to vector<16xf32>
      %swap3A_127 = vector.shape_cast %mul3A_122 : vector<16xf32> to vector<1x16xf32>
      tpu.vector_store %arg12[%swap3A_123, %swap3A_124], %swap3A_127 {strides = array<i32>} : memref<32x512xf32, #tpu.memory_space<vmem>>, vector<1x16xf32>,
      %get3A_128 = arith.index_cast %scan3A_20 : i32 to index
      %get3A_129 = arith.constant 112 : index
      %get3A_130 = tpu.vector_load %arg11[%get3A_128, %get3A_129] {strides = array<i32>} : memref<32x512xf32, #tpu.memory_space<vmem>>, vector<1x16xf32>,
      %get3A_131 = vector.shape_cast %get3A_130 : vector<1x16xf32> to vector<16xf32>
      %get3A_132 = arith.index_cast %scan3A_20 : i32 to index
      %get3A_133 = arith.constant 112 : index
      %get3A_134 = tpu.vector_load %arg10[%get3A_132, %get3A_133] {strides = array<i32>} : memref<32x512xf32, #tpu.memory_space<vmem>>, vector<1x16xf32>,
      %get3A_135 = vector.shape_cast %get3A_134 : vector<1x16xf32> to vector<16xf32>
      %sub3A_136 = arith.subf %get3A_131, %get3A_135 : vector<16xf32>
      %mul3A_137 = arith.mulf %sub3A_136, %get3A_24 : vector<16xf32>
      %swap3A_138 = arith.index_cast %scan3A_20 : i32 to index
      %swap3A_139 = arith.constant 112 : index
      %swap3A_140 = tpu.vector_load %arg12[%swap3A_138, %swap3A_139] {strides = array<i32>} : memref<32x512xf32, #tpu.memory_space<vmem>>, vector<1x16xf32>,
      %swap3A_141 = vector.shape_cast %swap3A_140 : vector<1x16xf32> to vector<16xf32>
      %swap3A_142 = vector.shape_cast %mul3A_137 : vector<16xf32> to vector<1x16xf32>
      tpu.vector_store %arg12[%swap3A_138, %swap3A_139], %swap3A_142 {strides = array<i32>} : memref<32x512xf32, #tpu.memory_space<vmem>>, vector<1x16xf32>,
      %get3A_143 = arith.index_cast %scan3A_20 : i32 to index
      %get3A_144 = arith.constant 128 : index
      %get3A_145 = tpu.vector_load %arg11[%get3A_143, %get3A_144] {strides = array<i32>} : memref<32x512xf32, #tpu.memory_space<vmem>>, vector<1x16xf32>,
      %get3A_146 = vector.shape_cast %get3A_145 : vector<1x16xf32> to vector<16xf32>
      %get3A_147 = arith.index_cast %scan3A_20 : i32 to index
      %get3A_148 = arith.constant 128 : index
      %get3A_149 = tpu.vector_load %arg10[%get3A_147, %get3A_148] {strides = array<i32>} : memref<32x512xf32, #tpu.memory_space<vmem>>, vector<1x16xf32>,
      %get3A_150 = vector.shape_cast %get3A_149 : vector<1x16xf32> to vector<16xf32>
      %sub3A_151 = arith.subf %get3A_146, %get3A_150 : vector<16xf32>
      %mul3A_152 = arith.mulf %sub3A_151, %get3A_24 : vector<16xf32>
      %swap3A_153 = arith.index_cast %scan3A_20 : i32 to index
      %swap3A_154 = arith.constant 128 : index
      %swap3A_155 = tpu.vector_load %arg12[%swap3A_153, %swap3A_154] {strides = array<i32>} : memref<32x512xf32, #tpu.memory_space<vmem>>, vector<1x16xf32>,
      %swap3A_156 = vector.shape_cast %swap3A_155 : vector<1x16xf32> to vector<16xf32>
      %swap3A_157 = vector.shape_cast %mul3A_152 : vector<16xf32> to vector<1x16xf32>
      tpu.vector_store %arg12[%swap3A_153, %swap3A_154], %swap3A_157 {strides = array<i32>} : memref<32x512xf32, #tpu.memory_space<vmem>>, vector<1x16xf32>,
      %get3A_158 = arith.index_cast %scan3A_20 : i32 to index
      %get3A_159 = arith.constant 144 : index
      %get3A_160 = tpu.vector_load %arg11[%get3A_158, %get3A_159] {strides = array<i32>} : memref<32x512xf32, #tpu.memory_space<vmem>>, vector<1x16xf32>,
      %get3A_161 = vector.shape_cast %get3A_160 : vector<1x16xf32> to vector<16xf32>
      %get3A_162 = arith.index_cast %scan3A_20 : i32 to index
      %get3A_163 = arith.constant 144 : index
      %get3A_164 = tpu.vector_load %arg10[%get3A_162, %get3A_163] {strides = array<i32>} : memref<32x512xf32, #tpu.memory_space<vmem>>, vector<1x16xf32>,
      %get3A_165 = vector.shape_cast %get3A_164 : vector<1x16xf32> to vector<16xf32>
      %sub3A_166 = arith.subf %get3A_161, %get3A_165 : vector<16xf32>
      %mul3A_167 = arith.mulf %sub3A_166, %get3A_24 : vector<16xf32>
      %swap3A_168 = arith.index_cast %scan3A_20 : i32 to index
      %swap3A_169 = arith.constant 144 : index
      %swap3A_170 = tpu.vector_load %arg12[%swap3A_168, %swap3A_169] {strides = array<i32>} : memref<32x512xf32, #tpu.memory_space<vmem>>, vector<1x16xf32>,
      %swap3A_171 = vector.shape_cast %swap3A_170 : vector<1x16xf32> to vector<16xf32>
      %swap3A_172 = vector.shape_cast %mul3A_167 : vector<16xf32> to vector<1x16xf32>
      tpu.vector_store %arg12[%swap3A_168, %swap3A_169], %swap3A_172 {strides = array<i32>} : memref<32x512xf32, #tpu.memory_space<vmem>>, vector<1x16xf32>,
      %get3A_173 = arith.index_cast %scan3A_20 : i32 to index
      %get3A_174 = arith.constant 160 : index
      %get3A_175 = tpu.vector_load %arg11[%get3A_173, %get3A_174] {strides = array<i32>} : memref<32x512xf32, #tpu.memory_space<vmem>>, vector<1x16xf32>,
      %get3A_176 = vector.shape_cast %get3A_175 : vector<1x16xf32> to vector<16xf32>
      %get3A_177 = arith.index_cast %scan3A_20 : i32 to index
      %get3A_178 = arith.constant 160 : index
      %get3A_179 = tpu.vector_load %arg10[%get3A_177, %get3A_178] {strides = array<i32>} : memref<32x512xf32, #tpu.memory_space<vmem>>, vector<1x16xf32>,
      %get3A_180 = vector.shape_cast %get3A_179 : vector<1x16xf32> to vector<16xf32>
      %sub3A_181 = arith.subf %get3A_176, %get3A_180 : vector<16xf32>
      %mul3A_182 = arith.mulf %sub3A_181, %get3A_24 : vector<16xf32>
      %swap3A_183 = arith.index_cast %scan3A_20 : i32 to index
      %swap3A_184 = arith.constant 160 : index
      %swap3A_185 = tpu.vector_load %arg12[%swap3A_183, %swap3A_184] {strides = array<i32>} : memref<32x512xf32, #tpu.memory_space<vmem>>, vector<1x16xf32>,
      %swap3A_186 = vector.shape_cast %swap3A_185 : vector<1x16xf32> to vector<16xf32>
      %swap3A_187 = vector.shape_cast %mul3A_182 : vector<16xf32> to vector<1x16xf32>
      tpu.vector_store %arg12[%swap3A_183, %swap3A_184], %swap3A_187 {strides = array<i32>} : memref<32x512xf32, #tpu.memory_space<vmem>>, vector<1x16xf32>,
      %get3A_188 = arith.index_cast %scan3A_20 : i32 to index
      %get3A_189 = arith.constant 176 : index
      %get3A_190 = tpu.vector_load %arg11[%get3A_188, %get3A_189] {strides = array<i32>} : memref<32x512xf32, #tpu.memory_space<vmem>>, vector<1x16xf32>,
      %get3A_191 = vector.shape_cast %get3A_190 : vector<1x16xf32> to vector<16xf32>
      %get3A_192 = arith.index_cast %scan3A_20 : i32 to index
      %get3A_193 = arith.constant 176 : index
      %get3A_194 = tpu.vector_load %arg10[%get3A_192, %get3A_193] {strides = array<i32>} : memref<32x512xf32, #tpu.memory_space<vmem>>, vector<1x16xf32>,
      %get3A_195 = vector.shape_cast %get3A_194 : vector<1x16xf32> to vector<16xf32>
      %sub3A_196 = arith.subf %get3A_191, %get3A_195 : vector<16xf32>
      %mul3A_197 = arith.mulf %sub3A_196, %get3A_24 : vector<16xf32>
      %swap3A_198 = arith.index_cast %scan3A_20 : i32 to index
      %swap3A_199 = arith.constant 176 : index
      %swap3A_200 = tpu.vector_load %arg12[%swap3A_198, %swap3A_199] {strides = array<i32>} : memref<32x512xf32, #tpu.memory_space<vmem>>, vector<1x16xf32>,
      %swap3A_201 = vector.shape_cast %swap3A_200 : vector<1x16xf32> to vector<16xf32>
      %swap3A_202 = vector.shape_cast %mul3A_197 : vector<16xf32> to vector<1x16xf32>
      tpu.vector_store %arg12[%swap3A_198, %swap3A_199], %swap3A_202 {strides = array<i32>} : memref<32x512xf32, #tpu.memory_space<vmem>>, vector<1x16xf32>,
      %get3A_203 = arith.index_cast %scan3A_20 : i32 to index
      %get3A_204 = arith.constant 192 : index
      %get3A_205 = tpu.vector_load %arg11[%get3A_203, %get3A_204] {strides = array<i32>} : memref<32x512xf32, #tpu.memory_space<vmem>>, vector<1x16xf32>,
      %get3A_206 = vector.shape_cast %get3A_205 : vector<1x16xf32> to vector<16xf32>
      %get3A_207 = arith.index_cast %scan3A_20 : i32 to index
      %get3A_208 = arith.constant 192 : index
      %get3A_209 = tpu.vector_load %arg10[%get3A_207, %get3A_208] {strides = array<i32>} : memref<32x512xf32, #tpu.memory_space<vmem>>, vector<1x16xf32>,
      %get3A_210 = vector.shape_cast %get3A_209 : vector<1x16xf32> to vector<16xf32>
      %sub3A_211 = arith.subf %get3A_206, %get3A_210 : vector<16xf32>
      %mul3A_212 = arith.mulf %sub3A_211, %get3A_24 : vector<16xf32>
      %swap3A_213 = arith.index_cast %scan3A_20 : i32 to index
      %swap3A_214 = arith.constant 192 : index
      %swap3A_215 = tpu.vector_load %arg12[%swap3A_213, %swap3A_214] {strides = array<i32>} : memref<32x512xf32, #tpu.memory_space<vmem>>, vector<1x16xf32>,
      %swap3A_216 = vector.shape_cast %swap3A_215 : vector<1x16xf32> to vector<16xf32>
      %swap3A_217 = vector.shape_cast %mul3A_212 : vector<16xf32> to vector<1x16xf32>
      tpu.vector_store %arg12[%swap3A_213, %swap3A_214], %swap3A_217 {strides = array<i32>} : memref<32x512xf32, #tpu.memory_space<vmem>>, vector<1x16xf32>,
      %get3A_218 = arith.index_cast %scan3A_20 : i32 to index
      %get3A_219 = arith.constant 208 : index
      %get3A_220 = tpu.vector_load %arg11[%get3A_218, %get3A_219] {strides = array<i32>} : memref<32x512xf32, #tpu.memory_space<vmem>>, vector<1x16xf32>,
      %get3A_221 = vector.shape_cast %get3A_220 : vector<1x16xf32> to vector<16xf32>
      %get3A_222 = arith.index_cast %scan3A_20 : i32 to index
      %get3A_223 = arith.constant 208 : index
      %get3A_224 = tpu.vector_load %arg10[%get3A_222, %get3A_223] {strides = array<i32>} : memref<32x512xf32, #tpu.memory_space<vmem>>, vector<1x16xf32>,
      %get3A_225 = vector.shape_cast %get3A_224 : vector<1x16xf32> to vector<16xf32>
      %sub3A_226 = arith.subf %get3A_221, %get3A_225 : vector<16xf32>
      %mul3A_227 = arith.mulf %sub3A_226, %get3A_24 : vector<16xf32>
      %swap3A_228 = arith.index_cast %scan3A_20 : i32 to index
      %swap3A_229 = arith.constant 208 : index
      %swap3A_230 = tpu.vector_load %arg12[%swap3A_228, %swap3A_229] {strides = array<i32>} : memref<32x512xf32, #tpu.memory_space<vmem>>, vector<1x16xf32>,
      %swap3A_231 = vector.shape_cast %swap3A_230 : vector<1x16xf32> to vector<16xf32>
      %swap3A_232 = vector.shape_cast %mul3A_227 : vector<16xf32> to vector<1x16xf32>
      tpu.vector_store %arg12[%swap3A_228, %swap3A_229], %swap3A_232 {strides = array<i32>} : memref<32x512xf32, #tpu.memory_space<vmem>>, vector<1x16xf32>,
      %get3A_233 = arith.index_cast %scan3A_20 : i32 to index
      %get3A_234 = arith.constant 224 : index
      %get3A_235 = tpu.vector_load %arg11[%get3A_233, %get3A_234] {strides = array<i32>} : memref<32x512xf32, #tpu.memory_space<vmem>>, vector<1x16xf32>,
      %get3A_236 = vector.shape_cast %get3A_235 : vector<1x16xf32> to vector<16xf32>
      %get3A_237 = arith.index_cast %scan3A_20 : i32 to index
      %get3A_238 = arith.constant 224 : index
      %get3A_239 = tpu.vector_load %arg10[%get3A_237, %get3A_238] {strides = array<i32>} : memref<32x512xf32, #tpu.memory_space<vmem>>, vector<1x16xf32>,
      %get3A_240 = vector.shape_cast %get3A_239 : vector<1x16xf32> to vector<16xf32>
      %sub3A_241 = arith.subf %get3A_236, %get3A_240 : vector<16xf32>
      %mul3A_242 = arith.mulf %sub3A_241, %get3A_24 : vector<16xf32>
      %swap3A_243 = arith.index_cast %scan3A_20 : i32 to index
      %swap3A_244 = arith.constant 224 : index
      %swap3A_245 = tpu.vector_load %arg12[%swap3A_243, %swap3A_244] {strides = array<i32>} : memref<32x512xf32, #tpu.memory_space<vmem>>, vector<1x16xf32>,
      %swap3A_246 = vector.shape_cast %swap3A_245 : vector<1x16xf32> to vector<16xf32>
      %swap3A_247 = vector.shape_cast %mul3A_242 : vector<16xf32> to vector<1x16xf32>
      tpu.vector_store %arg12[%swap3A_243, %swap3A_244], %swap3A_247 {strides = array<i32>} : memref<32x512xf32, #tpu.memory_space<vmem>>, vector<1x16xf32>,
      %get3A_248 = arith.index_cast %scan3A_20 : i32 to index
      %get3A_249 = arith.constant 240 : index
      %get3A_250 = tpu.vector_load %arg11[%get3A_248, %get3A_249] {strides = array<i32>} : memref<32x512xf32, #tpu.memory_space<vmem>>, vector<1x16xf32>,
      %get3A_251 = vector.shape_cast %get3A_250 : vector<1x16xf32> to vector<16xf32>
      %get3A_252 = arith.index_cast %scan3A_20 : i32 to index
      %get3A_253 = arith.constant 240 : index
      %get3A_254 = tpu.vector_load %arg10[%get3A_252, %get3A_253] {strides = array<i32>} : memref<32x512xf32, #tpu.memory_space<vmem>>, vector<1x16xf32>,
      %get3A_255 = vector.shape_cast %get3A_254 : vector<1x16xf32> to vector<16xf32>
      %sub3A_256 = arith.subf %get3A_251, %get3A_255 : vector<16xf32>
      %mul3A_257 = arith.mulf %sub3A_256, %get3A_24 : vector<16xf32>
      %swap3A_258 = arith.index_cast %scan3A_20 : i32 to index
      %swap3A_259 = arith.constant 240 : index
      %swap3A_260 = tpu.vector_load %arg12[%swap3A_258, %swap3A_259] {strides = array<i32>} : memref<32x512xf32, #tpu.memory_space<vmem>>, vector<1x16xf32>,
      %swap3A_261 = vector.shape_cast %swap3A_260 : vector<1x16xf32> to vector<16xf32>
      %swap3A_262 = vector.shape_cast %mul3A_257 : vector<16xf32> to vector<1x16xf32>
      tpu.vector_store %arg12[%swap3A_258, %swap3A_259], %swap3A_262 {strides = array<i32>} : memref<32x512xf32, #tpu.memory_space<vmem>>, vector<1x16xf32>,
      %get3A_263 = arith.index_cast %scan3A_20 : i32 to index
      %get3A_264 = arith.constant 256 : index
      %get3A_265 = tpu.vector_load %arg11[%get3A_263, %get3A_264] {strides = array<i32>} : memref<32x512xf32, #tpu.memory_space<vmem>>, vector<1x16xf32>,
      %get3A_266 = vector.shape_cast %get3A_265 : vector<1x16xf32> to vector<16xf32>
      %get3A_267 = arith.index_cast %scan3A_20 : i32 to index
      %get3A_268 = arith.constant 256 : index
      %get3A_269 = tpu.vector_load %arg10[%get3A_267, %get3A_268] {strides = array<i32>} : memref<32x512xf32, #tpu.memory_space<vmem>>, vector<1x16xf32>,
      %get3A_270 = vector.shape_cast %get3A_269 : vector<1x16xf32> to vector<16xf32>
      %sub3A_271 = arith.subf %get3A_266, %get3A_270 : vector<16xf32>
      %mul3A_272 = arith.mulf %sub3A_271, %get3A_24 : vector<16xf32>
      %swap3A_273 = arith.index_cast %scan3A_20 : i32 to index
      %swap3A_274 = arith.constant 256 : index
      %swap3A_275 = tpu.vector_load %arg12[%swap3A_273, %swap3A_274] {strides = array<i32>} : memref<32x512xf32, #tpu.memory_space<vmem>>, vector<1x16xf32>,
      %swap3A_276 = vector.shape_cast %swap3A_275 : vector<1x16xf32> to vector<16xf32>
      %swap3A_277 = vector.shape_cast %mul3A_272 : vector<16xf32> to vector<1x16xf32>
      tpu.vector_store %arg12[%swap3A_273, %swap3A_274], %swap3A_277 {strides = array<i32>} : memref<32x512xf32, #tpu.memory_space<vmem>>, vector<1x16xf32>,
      %get3A_278 = arith.index_cast %scan3A_20 : i32 to index
      %get3A_279 = arith.constant 272 : index
      %get3A_280 = tpu.vector_load %arg11[%get3A_278, %get3A_279] {strides = array<i32>} : memref<32x512xf32, #tpu.memory_space<vmem>>, vector<1x16xf32>,
      %get3A_281 = vector.shape_cast %get3A_280 : vector<1x16xf32> to vector<16xf32>
      %get3A_282 = arith.index_cast %scan3A_20 : i32 to index
      %get3A_283 = arith.constant 272 : index
      %get3A_284 = tpu.vector_load %arg10[%get3A_282, %get3A_283] {strides = array<i32>} : memref<32x512xf32, #tpu.memory_space<vmem>>, vector<1x16xf32>,
      %get3A_285 = vector.shape_cast %get3A_284 : vector<1x16xf32> to vector<16xf32>
      %sub3A_286 = arith.subf %get3A_281, %get3A_285 : vector<16xf32>
      %mul3A_287 = arith.mulf %sub3A_286, %get3A_24 : vector<16xf32>
      %swap3A_288 = arith.index_cast %scan3A_20 : i32 to index
      %swap3A_289 = arith.constant 272 : index
      %swap3A_290 = tpu.vector_load %arg12[%swap3A_288, %swap3A_289] {strides = array<i32>} : memref<32x512xf32, #tpu.memory_space<vmem>>, vector<1x16xf32>,
      %swap3A_291 = vector.shape_cast %swap3A_290 : vector<1x16xf32> to vector<16xf32>
      %swap3A_292 = vector.shape_cast %mul3A_287 : vector<16xf32> to vector<1x16xf32>
      tpu.vector_store %arg12[%swap3A_288, %swap3A_289], %swap3A_292 {strides = array<i32>} : memref<32x512xf32, #tpu.memory_space<vmem>>, vector<1x16xf32>,
      %get3A_293 = arith.index_cast %scan3A_20 : i32 to index
      %get3A_294 = arith.constant 288 : index
      %get3A_295 = tpu.vector_load %arg11[%get3A_293, %get3A_294] {strides = array<i32>} : memref<32x512xf32, #tpu.memory_space<vmem>>, vector<1x16xf32>,
      %get3A_296 = vector.shape_cast %get3A_295 : vector<1x16xf32> to vector<16xf32>
      %get3A_297 = arith.index_cast %scan3A_20 : i32 to index
      %get3A_298 = arith.constant 288 : index
      %get3A_299 = tpu.vector_load %arg10[%get3A_297, %get3A_298] {strides = array<i32>} : memref<32x512xf32, #tpu.memory_space<vmem>>, vector<1x16xf32>,
      %get3A_300 = vector.shape_cast %get3A_299 : vector<1x16xf32> to vector<16xf32>
      %sub3A_301 = arith.subf %get3A_296, %get3A_300 : vector<16xf32>
      %mul3A_302 = arith.mulf %sub3A_301, %get3A_24 : vector<16xf32>
      %swap3A_303 = arith.index_cast %scan3A_20 : i32 to index
      %swap3A_304 = arith.constant 288 : index
      %swap3A_305 = tpu.vector_load %arg12[%swap3A_303, %swap3A_304] {strides = array<i32>} : memref<32x512xf32, #tpu.memory_space<vmem>>, vector<1x16xf32>,
      %swap3A_306 = vector.shape_cast %swap3A_305 : vector<1x16xf32> to vector<16xf32>
      %swap3A_307 = vector.shape_cast %mul3A_302 : vector<16xf32> to vector<1x16xf32>
      tpu.vector_store %arg12[%swap3A_303, %swap3A_304], %swap3A_307 {strides = array<i32>} : memref<32x512xf32, #tpu.memory_space<vmem>>, vector<1x16xf32>,
      %get3A_308 = arith.index_cast %scan3A_20 : i32 to index
      %get3A_309 = arith.constant 304 : index
      %get3A_310 = tpu.vector_load %arg11[%get3A_308, %get3A_309] {strides = array<i32>} : memref<32x512xf32, #tpu.memory_space<vmem>>, vector<1x16xf32>,
      %get3A_311 = vector.shape_cast %get3A_310 : vector<1x16xf32> to vector<16xf32>
      %get3A_312 = arith.index_cast %scan3A_20 : i32 to index
      %get3A_313 = arith.constant 304 : index
      %get3A_314 = tpu.vector_load %arg10[%get3A_312, %get3A_313] {strides = array<i32>} : memref<32x512xf32, #tpu.memory_space<vmem>>, vector<1x16xf32>,
      %get3A_315 = vector.shape_cast %get3A_314 : vector<1x16xf32> to vector<16xf32>
      %sub3A_316 = arith.subf %get3A_311, %get3A_315 : vector<16xf32>
      %mul3A_317 = arith.mulf %sub3A_316, %get3A_24 : vector<16xf32>
      %swap3A_318 = arith.index_cast %scan3A_20 : i32 to index
      %swap3A_319 = arith.constant 304 : index
      %swap3A_320 = tpu.vector_load %arg12[%swap3A_318, %swap3A_319] {strides = array<i32>} : memref<32x512xf32, #tpu.memory_space<vmem>>, vector<1x16xf32>,
      %swap3A_321 = vector.shape_cast %swap3A_320 : vector<1x16xf32> to vector<16xf32>
      %swap3A_322 = vector.shape_cast %mul3A_317 : vector<16xf32> to vector<1x16xf32>
      tpu.vector_store %arg12[%swap3A_318, %swap3A_319], %swap3A_322 {strides = array<i32>} : memref<32x512xf32, #tpu.memory_space<vmem>>, vector<1x16xf32>,
      %get3A_323 = arith.index_cast %scan3A_20 : i32 to index
      %get3A_324 = arith.constant 320 : index
      %get3A_325 = tpu.vector_load %arg11[%get3A_323, %get3A_324] {strides = array<i32>} : memref<32x512xf32, #tpu.memory_space<vmem>>, vector<1x16xf32>,
      %get3A_326 = vector.shape_cast %get3A_325 : vector<1x16xf32> to vector<16xf32>
      %get3A_327 = arith.index_cast %scan3A_20 : i32 to index
      %get3A_328 = arith.constant 320 : index
      %get3A_329 = tpu.vector_load %arg10[%get3A_327, %get3A_328] {strides = array<i32>} : memref<32x512xf32, #tpu.memory_space<vmem>>, vector<1x16xf32>,
      %get3A_330 = vector.shape_cast %get3A_329 : vector<1x16xf32> to vector<16xf32>
      %sub3A_331 = arith.subf %get3A_326, %get3A_330 : vector<16xf32>
      %mul3A_332 = arith.mulf %sub3A_331, %get3A_24 : vector<16xf32>
      %swap3A_333 = arith.index_cast %scan3A_20 : i32 to index
      %swap3A_334 = arith.constant 320 : index
      %swap3A_335 = tpu.vector_load %arg12[%swap3A_333, %swap3A_334] {strides = array<i32>} : memref<32x512xf32, #tpu.memory_space<vmem>>, vector<1x16xf32>,
      %swap3A_336 = vector.shape_cast %swap3A_335 : vector<1x16xf32> to vector<16xf32>
      %swap3A_337 = vector.shape_cast %mul3A_332 : vector<16xf32> to vector<1x16xf32>
      tpu.vector_store %arg12[%swap3A_333, %swap3A_334], %swap3A_337 {strides = array<i32>} : memref<32x512xf32, #tpu.memory_space<vmem>>, vector<1x16xf32>,
      %get3A_338 = arith.index_cast %scan3A_20 : i32 to index
      %get3A_339 = arith.constant 336 : index
      %get3A_340 = tpu.vector_load %arg11[%get3A_338, %get3A_339] {strides = array<i32>} : memref<32x512xf32, #tpu.memory_space<vmem>>, vector<1x16xf32>,
      %get3A_341 = vector.shape_cast %get3A_340 : vector<1x16xf32> to vector<16xf32>
      %get3A_342 = arith.index_cast %scan3A_20 : i32 to index
      %get3A_343 = arith.constant 336 : index
      %get3A_344 = tpu.vector_load %arg10[%get3A_342, %get3A_343] {strides = array<i32>} : memref<32x512xf32, #tpu.memory_space<vmem>>, vector<1x16xf32>,
      %get3A_345 = vector.shape_cast %get3A_344 : vector<1x16xf32> to vector<16xf32>
      %sub3A_346 = arith.subf %get3A_341, %get3A_345 : vector<16xf32>
      %mul3A_347 = arith.mulf %sub3A_346, %get3A_24 : vector<16xf32>
      %swap3A_348 = arith.index_cast %scan3A_20 : i32 to index
      %swap3A_349 = arith.constant 336 : index
      %swap3A_350 = tpu.vector_load %arg12[%swap3A_348, %swap3A_349] {strides = array<i32>} : memref<32x512xf32, #tpu.memory_space<vmem>>, vector<1x16xf32>,
      %swap3A_351 = vector.shape_cast %swap3A_350 : vector<1x16xf32> to vector<16xf32>
      %swap3A_352 = vector.shape_cast %mul3A_347 : vector<16xf32> to vector<1x16xf32>
      tpu.vector_store %arg12[%swap3A_348, %swap3A_349], %swap3A_352 {strides = array<i32>} : memref<32x512xf32, #tpu.memory_space<vmem>>, vector<1x16xf32>,
      %get3A_353 = arith.index_cast %scan3A_20 : i32 to index
      %get3A_354 = arith.constant 352 : index
      %get3A_355 = tpu.vector_load %arg11[%get3A_353, %get3A_354] {strides = array<i32>} : memref<32x512xf32, #tpu.memory_space<vmem>>, vector<1x16xf32>,
      %get3A_356 = vector.shape_cast %get3A_355 : vector<1x16xf32> to vector<16xf32>
      %get3A_357 = arith.index_cast %scan3A_20 : i32 to index
      %get3A_358 = arith.constant 352 : index
      %get3A_359 = tpu.vector_load %arg10[%get3A_357, %get3A_358] {strides = array<i32>} : memref<32x512xf32, #tpu.memory_space<vmem>>, vector<1x16xf32>,
      %get3A_360 = vector.shape_cast %get3A_359 : vector<1x16xf32> to vector<16xf32>
      %sub3A_361 = arith.subf %get3A_356, %get3A_360 : vector<16xf32>
      %mul3A_362 = arith.mulf %sub3A_361, %get3A_24 : vector<16xf32>
      %swap3A_363 = arith.index_cast %scan3A_20 : i32 to index
      %swap3A_364 = arith.constant 352 : index
      %swap3A_365 = tpu.vector_load %arg12[%swap3A_363, %swap3A_364] {strides = array<i32>} : memref<32x512xf32, #tpu.memory_space<vmem>>, vector<1x16xf32>,
      %swap3A_366 = vector.shape_cast %swap3A_365 : vector<1x16xf32> to vector<16xf32>
      %swap3A_367 = vector.shape_cast %mul3A_362 : vector<16xf32> to vector<1x16xf32>
      tpu.vector_store %arg12[%swap3A_363, %swap3A_364], %swap3A_367 {strides = array<i32>} : memref<32x512xf32, #tpu.memory_space<vmem>>, vector<1x16xf32>,
      %get3A_368 = arith.index_cast %scan3A_20 : i32 to index
      %get3A_369 = arith.constant 368 : index
      %get3A_370 = tpu.vector_load %arg11[%get3A_368, %get3A_369] {strides = array<i32>} : memref<32x512xf32, #tpu.memory_space<vmem>>, vector<1x16xf32>,
      %get3A_371 = vector.shape_cast %get3A_370 : vector<1x16xf32> to vector<16xf32>
      %get3A_372 = arith.index_cast %scan3A_20 : i32 to index
      %get3A_373 = arith.constant 368 : index
      %get3A_374 = tpu.vector_load %arg10[%get3A_372, %get3A_373] {strides = array<i32>} : memref<32x512xf32, #tpu.memory_space<vmem>>, vector<1x16xf32>,
      %get3A_375 = vector.shape_cast %get3A_374 : vector<1x16xf32> to vector<16xf32>
      %sub3A_376 = arith.subf %get3A_371, %get3A_375 : vector<16xf32>
      %mul3A_377 = arith.mulf %sub3A_376, %get3A_24 : vector<16xf32>
      %swap3A_378 = arith.index_cast %scan3A_20 : i32 to index
      %swap3A_379 = arith.constant 368 : index
      %swap3A_380 = tpu.vector_load %arg12[%swap3A_378, %swap3A_379] {strides = array<i32>} : memref<32x512xf32, #tpu.memory_space<vmem>>, vector<1x16xf32>,
      %swap3A_381 = vector.shape_cast %swap3A_380 : vector<1x16xf32> to vector<16xf32>
      %swap3A_382 = vector.shape_cast %mul3A_377 : vector<16xf32> to vector<1x16xf32>
      tpu.vector_store %arg12[%swap3A_378, %swap3A_379], %swap3A_382 {strides = array<i32>} : memref<32x512xf32, #tpu.memory_space<vmem>>, vector<1x16xf32>,
      %get3A_383 = arith.index_cast %scan3A_20 : i32 to index
      %get3A_384 = arith.constant 384 : index
      %get3A_385 = tpu.vector_load %arg11[%get3A_383, %get3A_384] {strides = array<i32>} : memref<32x512xf32, #tpu.memory_space<vmem>>, vector<1x16xf32>,
      %get3A_386 = vector.shape_cast %get3A_385 : vector<1x16xf32> to vector<16xf32>
      %get3A_387 = arith.index_cast %scan3A_20 : i32 to index
      %get3A_388 = arith.constant 384 : index
      %get3A_389 = tpu.vector_load %arg10[%get3A_387, %get3A_388] {strides = array<i32>} : memref<32x512xf32, #tpu.memory_space<vmem>>, vector<1x16xf32>,
      %get3A_390 = vector.shape_cast %get3A_389 : vector<1x16xf32> to vector<16xf32>
      %sub3A_391 = arith.subf %get3A_386, %get3A_390 : vector<16xf32>
      %mul3A_392 = arith.mulf %sub3A_391, %get3A_24 : vector<16xf32>
      %swap3A_393 = arith.index_cast %scan3A_20 : i32 to index
      %swap3A_394 = arith.constant 384 : index
      %swap3A_395 = tpu.vector_load %arg12[%swap3A_393, %swap3A_394] {strides = array<i32>} : memref<32x512xf32, #tpu.memory_space<vmem>>, vector<1x16xf32>,
      %swap3A_396 = vector.shape_cast %swap3A_395 : vector<1x16xf32> to vector<16xf32>
      %swap3A_397 = vector.shape_cast %mul3A_392 : vector<16xf32> to vector<1x16xf32>
      tpu.vector_store %arg12[%swap3A_393, %swap3A_394], %swap3A_397 {strides = array<i32>} : memref<32x512xf32, #tpu.memory_space<vmem>>, vector<1x16xf32>,
      %get3A_398 = arith.index_cast %scan3A_20 : i32 to index
      %get3A_399 = arith.constant 400 : index
      %get3A_400 = tpu.vector_load %arg11[%get3A_398, %get3A_399] {strides = array<i32>} : memref<32x512xf32, #tpu.memory_space<vmem>>, vector<1x16xf32>,
      %get3A_401 = vector.shape_cast %get3A_400 : vector<1x16xf32> to vector<16xf32>
      %get3A_402 = arith.index_cast %scan3A_20 : i32 to index
      %get3A_403 = arith.constant 400 : index
      %get3A_404 = tpu.vector_load %arg10[%get3A_402, %get3A_403] {strides = array<i32>} : memref<32x512xf32, #tpu.memory_space<vmem>>, vector<1x16xf32>,
      %get3A_405 = vector.shape_cast %get3A_404 : vector<1x16xf32> to vector<16xf32>
      %sub3A_406 = arith.subf %get3A_401, %get3A_405 : vector<16xf32>
      %mul3A_407 = arith.mulf %sub3A_406, %get3A_24 : vector<16xf32>
      %swap3A_408 = arith.index_cast %scan3A_20 : i32 to index
      %swap3A_409 = arith.constant 400 : index
      %swap3A_410 = tpu.vector_load %arg12[%swap3A_408, %swap3A_409] {strides = array<i32>} : memref<32x512xf32, #tpu.memory_space<vmem>>, vector<1x16xf32>,
      %swap3A_411 = vector.shape_cast %swap3A_410 : vector<1x16xf32> to vector<16xf32>
      %swap3A_412 = vector.shape_cast %mul3A_407 : vector<16xf32> to vector<1x16xf32>
      tpu.vector_store %arg12[%swap3A_408, %swap3A_409], %swap3A_412 {strides = array<i32>} : memref<32x512xf32, #tpu.memory_space<vmem>>, vector<1x16xf32>,
      %get3A_413 = arith.index_cast %scan3A_20 : i32 to index
      %get3A_414 = arith.constant 416 : index
      %get3A_415 = tpu.vector_load %arg11[%get3A_413, %get3A_414] {strides = array<i32>} : memref<32x512xf32, #tpu.memory_space<vmem>>, vector<1x16xf32>,
      %get3A_416 = vector.shape_cast %get3A_415 : vector<1x16xf32> to vector<16xf32>
      %get3A_417 = arith.index_cast %scan3A_20 : i32 to index
      %get3A_418 = arith.constant 416 : index
      %get3A_419 = tpu.vector_load %arg10[%get3A_417, %get3A_418] {strides = array<i32>} : memref<32x512xf32, #tpu.memory_space<vmem>>, vector<1x16xf32>,
      %get3A_420 = vector.shape_cast %get3A_419 : vector<1x16xf32> to vector<16xf32>
      %sub3A_421 = arith.subf %get3A_416, %get3A_420 : vector<16xf32>
      %mul3A_422 = arith.mulf %sub3A_421, %get3A_24 : vector<16xf32>
      %swap3A_423 = arith.index_cast %scan3A_20 : i32 to index
      %swap3A_424 = arith.constant 416 : index
      %swap3A_425 = tpu.vector_load %arg12[%swap3A_423, %swap3A_424] {strides = array<i32>} : memref<32x512xf32, #tpu.memory_space<vmem>>, vector<1x16xf32>,
      %swap3A_426 = vector.shape_cast %swap3A_425 : vector<1x16xf32> to vector<16xf32>
      %swap3A_427 = vector.shape_cast %mul3A_422 : vector<16xf32> to vector<1x16xf32>
      tpu.vector_store %arg12[%swap3A_423, %swap3A_424], %swap3A_427 {strides = array<i32>} : memref<32x512xf32, #tpu.memory_space<vmem>>, vector<1x16xf32>,
      %get3A_428 = arith.index_cast %scan3A_20 : i32 to index
      %get3A_429 = arith.constant 432 : index
      %get3A_430 = tpu.vector_load %arg11[%get3A_428, %get3A_429] {strides = array<i32>} : memref<32x512xf32, #tpu.memory_space<vmem>>, vector<1x16xf32>,
      %get3A_431 = vector.shape_cast %get3A_430 : vector<1x16xf32> to vector<16xf32>
      %get3A_432 = arith.index_cast %scan3A_20 : i32 to index
      %get3A_433 = arith.constant 432 : index
      %get3A_434 = tpu.vector_load %arg10[%get3A_432, %get3A_433] {strides = array<i32>} : memref<32x512xf32, #tpu.memory_space<vmem>>, vector<1x16xf32>,
      %get3A_435 = vector.shape_cast %get3A_434 : vector<1x16xf32> to vector<16xf32>
      %sub3A_436 = arith.subf %get3A_431, %get3A_435 : vector<16xf32>
      %mul3A_437 = arith.mulf %sub3A_436, %get3A_24 : vector<16xf32>
      %swap3A_438 = arith.index_cast %scan3A_20 : i32 to index
      %swap3A_439 = arith.constant 432 : index
      %swap3A_440 = tpu.vector_load %arg12[%swap3A_438, %swap3A_439] {strides = array<i32>} : memref<32x512xf32, #tpu.memory_space<vmem>>, vector<1x16xf32>,
      %swap3A_441 = vector.shape_cast %swap3A_440 : vector<1x16xf32> to vector<16xf32>
      %swap3A_442 = vector.shape_cast %mul3A_437 : vector<16xf32> to vector<1x16xf32>
      tpu.vector_store %arg12[%swap3A_438, %swap3A_439], %swap3A_442 {strides = array<i32>} : memref<32x512xf32, #tpu.memory_space<vmem>>, vector<1x16xf32>,
      %get3A_443 = arith.index_cast %scan3A_20 : i32 to index
      %get3A_444 = arith.constant 448 : index
      %get3A_445 = tpu.vector_load %arg11[%get3A_443, %get3A_444] {strides = array<i32>} : memref<32x512xf32, #tpu.memory_space<vmem>>, vector<1x16xf32>,
      %get3A_446 = vector.shape_cast %get3A_445 : vector<1x16xf32> to vector<16xf32>
      %get3A_447 = arith.index_cast %scan3A_20 : i32 to index
      %get3A_448 = arith.constant 448 : index
      %get3A_449 = tpu.vector_load %arg10[%get3A_447, %get3A_448] {strides = array<i32>} : memref<32x512xf32, #tpu.memory_space<vmem>>, vector<1x16xf32>,
      %get3A_450 = vector.shape_cast %get3A_449 : vector<1x16xf32> to vector<16xf32>
      %sub3A_451 = arith.subf %get3A_446, %get3A_450 : vector<16xf32>
      %mul3A_452 = arith.mulf %sub3A_451, %get3A_24 : vector<16xf32>
      %swap3A_453 = arith.index_cast %scan3A_20 : i32 to index
      %swap3A_454 = arith.constant 448 : index
      %swap3A_455 = tpu.vector_load %arg12[%swap3A_453, %swap3A_454] {strides = array<i32>} : memref<32x512xf32, #tpu.memory_space<vmem>>, vector<1x16xf32>,
      %swap3A_456 = vector.shape_cast %swap3A_455 : vector<1x16xf32> to vector<16xf32>
      %swap3A_457 = vector.shape_cast %mul3A_452 : vector<16xf32> to vector<1x16xf32>
      tpu.vector_store %arg12[%swap3A_453, %swap3A_454], %swap3A_457 {strides = array<i32>} : memref<32x512xf32, #tpu.memory_space<vmem>>, vector<1x16xf32>,
      %get3A_458 = arith.index_cast %scan3A_20 : i32 to index
      %get3A_459 = arith.constant 464 : index
      %get3A_460 = tpu.vector_load %arg11[%get3A_458, %get3A_459] {strides = array<i32>} : memref<32x512xf32, #tpu.memory_space<vmem>>, vector<1x16xf32>,
      %get3A_461 = vector.shape_cast %get3A_460 : vector<1x16xf32> to vector<16xf32>
      %get3A_462 = arith.index_cast %scan3A_20 : i32 to index
      %get3A_463 = arith.constant 464 : index
      %get3A_464 = tpu.vector_load %arg10[%get3A_462, %get3A_463] {strides = array<i32>} : memref<32x512xf32, #tpu.memory_space<vmem>>, vector<1x16xf32>,
      %get3A_465 = vector.shape_cast %get3A_464 : vector<1x16xf32> to vector<16xf32>
      %sub3A_466 = arith.subf %get3A_461, %get3A_465 : vector<16xf32>
      %mul3A_467 = arith.mulf %sub3A_466, %get3A_24 : vector<16xf32>
      %swap3A_468 = arith.index_cast %scan3A_20 : i32 to index
      %swap3A_469 = arith.constant 464 : index
      %swap3A_470 = tpu.vector_load %arg12[%swap3A_468, %swap3A_469] {strides = array<i32>} : memref<32x512xf32, #tpu.memory_space<vmem>>, vector<1x16xf32>,
      %swap3A_471 = vector.shape_cast %swap3A_470 : vector<1x16xf32> to vector<16xf32>
      %swap3A_472 = vector.shape_cast %mul3A_467 : vector<16xf32> to vector<1x16xf32>
      tpu.vector_store %arg12[%swap3A_468, %swap3A_469], %swap3A_472 {strides = array<i32>} : memref<32x512xf32, #tpu.memory_space<vmem>>, vector<1x16xf32>,
      %get3A_473 = arith.index_cast %scan3A_20 : i32 to index
      %get3A_474 = arith.constant 480 : index
      %get3A_475 = tpu.vector_load %arg11[%get3A_473, %get3A_474] {strides = array<i32>} : memref<32x512xf32, #tpu.memory_space<vmem>>, vector<1x16xf32>,
      %get3A_476 = vector.shape_cast %get3A_475 : vector<1x16xf32> to vector<16xf32>
      %get3A_477 = arith.index_cast %scan3A_20 : i32 to index
      %get3A_478 = arith.constant 480 : index
      %get3A_479 = tpu.vector_load %arg10[%get3A_477, %get3A_478] {strides = array<i32>} : memref<32x512xf32, #tpu.memory_space<vmem>>, vector<1x16xf32>,
      %get3A_480 = vector.shape_cast %get3A_479 : vector<1x16xf32> to vector<16xf32>
      %sub3A_481 = arith.subf %get3A_476, %get3A_480 : vector<16xf32>
      %mul3A_482 = arith.mulf %sub3A_481, %get3A_24 : vector<16xf32>
      %swap3A_483 = arith.index_cast %scan3A_20 : i32 to index
      %swap3A_484 = arith.constant 480 : index
      %swap3A_485 = tpu.vector_load %arg12[%swap3A_483, %swap3A_484] {strides = array<i32>} : memref<32x512xf32, #tpu.memory_space<vmem>>, vector<1x16xf32>,
      %swap3A_486 = vector.shape_cast %swap3A_485 : vector<1x16xf32> to vector<16xf32>
      %swap3A_487 = vector.shape_cast %mul3A_482 : vector<16xf32> to vector<1x16xf32>
      tpu.vector_store %arg12[%swap3A_483, %swap3A_484], %swap3A_487 {strides = array<i32>} : memref<32x512xf32, #tpu.memory_space<vmem>>, vector<1x16xf32>,
      %get3A_488 = arith.index_cast %scan3A_20 : i32 to index
      %get3A_489 = arith.constant 496 : index
      %get3A_490 = tpu.vector_load %arg11[%get3A_488, %get3A_489] {strides = array<i32>} : memref<32x512xf32, #tpu.memory_space<vmem>>, vector<1x16xf32>,
      %get3A_491 = vector.shape_cast %get3A_490 : vector<1x16xf32> to vector<16xf32>
      %get3A_492 = arith.index_cast %scan3A_20 : i32 to index
      %get3A_493 = arith.constant 496 : index
      %get3A_494 = tpu.vector_load %arg10[%get3A_492, %get3A_493] {strides = array<i32>} : memref<32x512xf32, #tpu.memory_space<vmem>>, vector<1x16xf32>,
      %get3A_495 = vector.shape_cast %get3A_494 : vector<1x16xf32> to vector<16xf32>
      %sub3A_496 = arith.subf %get3A_491, %get3A_495 : vector<16xf32>
      %mul3A_497 = arith.mulf %sub3A_496, %get3A_24 : vector<16xf32>
      %swap3A_498 = arith.index_cast %scan3A_20 : i32 to index
      %swap3A_499 = arith.constant 496 : index
      %swap3A_500 = tpu.vector_load %arg12[%swap3A_498, %swap3A_499] {strides = array<i32>} : memref<32x512xf32, #tpu.memory_space<vmem>>, vector<1x16xf32>,
      %swap3A_501 = vector.shape_cast %swap3A_500 : vector<1x16xf32> to vector<16xf32>
      %swap3A_502 = vector.shape_cast %mul3A_497 : vector<16xf32> to vector<1x16xf32>
      tpu.vector_store %arg12[%swap3A_498, %swap3A_499], %swap3A_502 {strides = array<i32>} : memref<32x512xf32, #tpu.memory_space<vmem>>, vector<1x16xf32>,
    }
    %scan3A_19 = arith.constant 32 : i32
    "tpu.region"() ({
      %run_scoped3A = tpu.sem_alloc : memref<!tpu.dma_semaphore, #tpu.memory_space<semaphore_mem>>
      %dma_start3A_20 = arith.constant 0 : i32
      %dma_start3A_21 = tpu.memref_slice %arg6[%mul3A_2, %dma_start3A_20] : memref<1024x512xf32, #tpu.memory_space<hbm>> -> memref<32x512xf32, #tpu.memory_space<hbm>>
      %dma_start3A_22 = arith.constant 0 : i32
      %dma_start3A_23 = tpu.memref_slice %arg6[%mul3A_2, %dma_start3A_22] : memref<1024x512xf32, #tpu.memory_space<hbm>> -> memref<32x512xf32, #tpu.memory_space<hbm>>
      tpu.enqueue_dma source(%arg12 : memref<32x512xf32, #tpu.memory_space<vmem>>) target(%dma_start3A_23 : memref<32x512xf32, #tpu.memory_space<hbm>>) target_semaphore(%run_scoped3A : memref<!tpu.dma_semaphore, #tpu.memory_space<semaphore_mem>>)
      %dma_wait3A_24 = arith.constant 0 : i32
      %dma_wait3A_25 = tpu.memref_slice %arg6[%mul3A_2, %dma_wait3A_24] : memref<1024x512xf32, #tpu.memory_space<hbm>> -> memref<32x512xf32, #tpu.memory_space<hbm>>
      %dma_wait3A_26 = arith.constant 0 : i32
      %dma_wait3A_27 = tpu.memref_slice %arg6[%mul3A_2, %dma_wait3A_26] : memref<1024x512xf32, #tpu.memory_space<hbm>> -> memref<32x512xf32, #tpu.memory_space<hbm>>
      tpu.wait_dma2 semaphore(%run_scoped3A : memref<!tpu.dma_semaphore, #tpu.memory_space<semaphore_mem>>) src(%arg12 : memref<32x512xf32, #tpu.memory_space<vmem>>) dst(%dma_wait3A_27 : memref<32x512xf32, #tpu.memory_space<hbm>>)
      tpu.yield
    }) : () -> ()
    return
  }
}

module attributes {stable_mosaic.version = 14 : i64} {
  func.func @_prefix_body(%arg0: i32, %arg1: memref<1x2048x512xf32, #tpu.memory_space<vmem>>, %arg2: memref<1x1x128xi32, #tpu.memory_space<vmem>>, %arg3: memref<1x1x128xi32, #tpu.memory_space<vmem>>, %arg4: memref<512x1xf32, #tpu.memory_space<vmem>>, %arg5: memref<1x2048x512xf32, #tpu.memory_space<vmem>>, %arg6: memref<1x128x16xf32, #tpu.memory_space<vmem>>, %arg7: memref<1x1x128xi32, #tpu.memory_space<vmem>>, %arg8: memref<1x1x128xi32, #tpu.memory_space<vmem>>) attributes {dimension_semantics = [#tpu.dimension_semantics<arbitrary>], iteration_bounds = array<i64: 8>, scalar_prefetch = 0 : i64, scratch_operands = 0 : i64, tpu.core_type = #tpu.core_type<tc>, window_params = [{transform_indices = @transform_0, window_bounds = array<i64: 1, 2048, 512>}, {transform_indices = @transform_1, window_bounds = array<i64: 1, 1, 128>}, {transform_indices = @transform_2, window_bounds = array<i64: 1, 1, 128>}, {pipeline_mode = #tpu.pipeline_mode<synchronous>, transform_indices = @transform_3, window_bounds = array<i64: 512, 1>}, {transform_indices = @transform_4, window_bounds = array<i64: 1, 2048, 512>}, {transform_indices = @transform_5, window_bounds = array<i64: 1, 128, 16>}, {transform_indices = @transform_6, window_bounds = array<i64: 1, 1, 128>}, {transform_indices = @transform_7, window_bounds = array<i64: 1, 1, 128>}]} {
    %get3A = arith.constant 0 : index
    %get3A_0 = arith.constant 0 : index
    %get3A_1 = arith.constant 0 : index
    %get3A_2 = vector.load %arg1[%get3A, %get3A_0, %get3A_1] : memref<1x2048x512xf32, #tpu.memory_space<vmem>>, vector<1x2048x512xf32>
    %get3A_3 = vector.shape_cast %get3A_2 : vector<1x2048x512xf32> to vector<2048x512xf32>
    %slice3A = vector.extract_strided_slice %get3A_3 {offsets = [0, 0], sizes = [128, 512], strides = [1, 1]} : vector<2048x512xf32> to vector<128x512xf32>
    %get3A_4 = arith.constant 0 : index
    %get3A_5 = arith.constant 0 : index
    %get3A_6 = vector.load %arg4[%get3A_4, %get3A_5] : memref<512x1xf32, #tpu.memory_space<vmem>>, vector<512x1xf32>
    %dot_general3A = arith.constant dense<0.000000e+00> : vector<128x1xf32>
    %dot_general3A_7 = tpu.matmul %slice3A, %get3A_6, %dot_general3A {dimension_numbers = #tpu.dot_dimension_numbers<[1], [0], [0], [1], [0, 0, 1, 1], [], []>, transpose_lhs_hint = false} : vector<128x512xf32>, vector<512x1xf32>, vector<128x1xf32> -> vector<128x1xf32>
    %exp3A = math.exp %dot_general3A_7 : vector<128x1xf32>
    %slice3A_8 = vector.extract_strided_slice %get3A_3 {offsets = [128, 0], sizes = [128, 512], strides = [1, 1]} : vector<2048x512xf32> to vector<128x512xf32>
    %get3A_9 = arith.constant 0 : index
    %get3A_10 = arith.constant 0 : index
    %get3A_11 = vector.load %arg4[%get3A_9, %get3A_10] : memref<512x1xf32, #tpu.memory_space<vmem>>, vector<512x1xf32>
    %dot_general3A_12 = arith.constant dense<0.000000e+00> : vector<128x1xf32>
    %dot_general3A_13 = tpu.matmul %slice3A_8, %get3A_11, %dot_general3A_12 {dimension_numbers = #tpu.dot_dimension_numbers<[1], [0], [0], [1], [0, 0, 1, 1], [], []>, transpose_lhs_hint = false} : vector<128x512xf32>, vector<512x1xf32>, vector<128x1xf32> -> vector<128x1xf32>
    %exp3A_14 = math.exp %dot_general3A_13 : vector<128x1xf32>
    %slice3A_15 = vector.extract_strided_slice %get3A_3 {offsets = [256, 0], sizes = [128, 512], strides = [1, 1]} : vector<2048x512xf32> to vector<128x512xf32>
    %get3A_16 = arith.constant 0 : index
    %get3A_17 = arith.constant 0 : index
    %get3A_18 = vector.load %arg4[%get3A_16, %get3A_17] : memref<512x1xf32, #tpu.memory_space<vmem>>, vector<512x1xf32>
    %dot_general3A_19 = arith.constant dense<0.000000e+00> : vector<128x1xf32>
    %dot_general3A_20 = tpu.matmul %slice3A_15, %get3A_18, %dot_general3A_19 {dimension_numbers = #tpu.dot_dimension_numbers<[1], [0], [0], [1], [0, 0, 1, 1], [], []>, transpose_lhs_hint = false} : vector<128x512xf32>, vector<512x1xf32>, vector<128x1xf32> -> vector<128x1xf32>
    %exp3A_21 = math.exp %dot_general3A_20 : vector<128x1xf32>
    %slice3A_22 = vector.extract_strided_slice %get3A_3 {offsets = [384, 0], sizes = [128, 512], strides = [1, 1]} : vector<2048x512xf32> to vector<128x512xf32>
    %get3A_23 = arith.constant 0 : index
    %get3A_24 = arith.constant 0 : index
    %get3A_25 = vector.load %arg4[%get3A_23, %get3A_24] : memref<512x1xf32, #tpu.memory_space<vmem>>, vector<512x1xf32>
    %dot_general3A_26 = arith.constant dense<0.000000e+00> : vector<128x1xf32>
    %dot_general3A_27 = tpu.matmul %slice3A_22, %get3A_25, %dot_general3A_26 {dimension_numbers = #tpu.dot_dimension_numbers<[1], [0], [0], [1], [0, 0, 1, 1], [], []>, transpose_lhs_hint = false} : vector<128x512xf32>, vector<512x1xf32>, vector<128x1xf32> -> vector<128x1xf32>
    %exp3A_28 = math.exp %dot_general3A_27 : vector<128x1xf32>
    %slice3A_29 = vector.extract_strided_slice %get3A_3 {offsets = [512, 0], sizes = [128, 512], strides = [1, 1]} : vector<2048x512xf32> to vector<128x512xf32>
    %get3A_30 = arith.constant 0 : index
    %get3A_31 = arith.constant 0 : index
    %get3A_32 = vector.load %arg4[%get3A_30, %get3A_31] : memref<512x1xf32, #tpu.memory_space<vmem>>, vector<512x1xf32>
    %dot_general3A_33 = arith.constant dense<0.000000e+00> : vector<128x1xf32>
    %dot_general3A_34 = tpu.matmul %slice3A_29, %get3A_32, %dot_general3A_33 {dimension_numbers = #tpu.dot_dimension_numbers<[1], [0], [0], [1], [0, 0, 1, 1], [], []>, transpose_lhs_hint = false} : vector<128x512xf32>, vector<512x1xf32>, vector<128x1xf32> -> vector<128x1xf32>
    %exp3A_35 = math.exp %dot_general3A_34 : vector<128x1xf32>
    %slice3A_36 = vector.extract_strided_slice %get3A_3 {offsets = [640, 0], sizes = [128, 512], strides = [1, 1]} : vector<2048x512xf32> to vector<128x512xf32>
    %get3A_37 = arith.constant 0 : index
    %get3A_38 = arith.constant 0 : index
    %get3A_39 = vector.load %arg4[%get3A_37, %get3A_38] : memref<512x1xf32, #tpu.memory_space<vmem>>, vector<512x1xf32>
    %dot_general3A_40 = arith.constant dense<0.000000e+00> : vector<128x1xf32>
    %dot_general3A_41 = tpu.matmul %slice3A_36, %get3A_39, %dot_general3A_40 {dimension_numbers = #tpu.dot_dimension_numbers<[1], [0], [0], [1], [0, 0, 1, 1], [], []>, transpose_lhs_hint = false} : vector<128x512xf32>, vector<512x1xf32>, vector<128x1xf32> -> vector<128x1xf32>
    %exp3A_42 = math.exp %dot_general3A_41 : vector<128x1xf32>
    %slice3A_43 = vector.extract_strided_slice %get3A_3 {offsets = [768, 0], sizes = [128, 512], strides = [1, 1]} : vector<2048x512xf32> to vector<128x512xf32>
    %get3A_44 = arith.constant 0 : index
    %get3A_45 = arith.constant 0 : index
    %get3A_46 = vector.load %arg4[%get3A_44, %get3A_45] : memref<512x1xf32, #tpu.memory_space<vmem>>, vector<512x1xf32>
    %dot_general3A_47 = arith.constant dense<0.000000e+00> : vector<128x1xf32>
    %dot_general3A_48 = tpu.matmul %slice3A_43, %get3A_46, %dot_general3A_47 {dimension_numbers = #tpu.dot_dimension_numbers<[1], [0], [0], [1], [0, 0, 1, 1], [], []>, transpose_lhs_hint = false} : vector<128x512xf32>, vector<512x1xf32>, vector<128x1xf32> -> vector<128x1xf32>
    %exp3A_49 = math.exp %dot_general3A_48 : vector<128x1xf32>
    %slice3A_50 = vector.extract_strided_slice %get3A_3 {offsets = [896, 0], sizes = [128, 512], strides = [1, 1]} : vector<2048x512xf32> to vector<128x512xf32>
    %get3A_51 = arith.constant 0 : index
    %get3A_52 = arith.constant 0 : index
    %get3A_53 = vector.load %arg4[%get3A_51, %get3A_52] : memref<512x1xf32, #tpu.memory_space<vmem>>, vector<512x1xf32>
    %dot_general3A_54 = arith.constant dense<0.000000e+00> : vector<128x1xf32>
    %dot_general3A_55 = tpu.matmul %slice3A_50, %get3A_53, %dot_general3A_54 {dimension_numbers = #tpu.dot_dimension_numbers<[1], [0], [0], [1], [0, 0, 1, 1], [], []>, transpose_lhs_hint = false} : vector<128x512xf32>, vector<512x1xf32>, vector<128x1xf32> -> vector<128x1xf32>
    %exp3A_56 = math.exp %dot_general3A_55 : vector<128x1xf32>
    %slice3A_57 = vector.extract_strided_slice %get3A_3 {offsets = [1024, 0], sizes = [128, 512], strides = [1, 1]} : vector<2048x512xf32> to vector<128x512xf32>
    %get3A_58 = arith.constant 0 : index
    %get3A_59 = arith.constant 0 : index
    %get3A_60 = vector.load %arg4[%get3A_58, %get3A_59] : memref<512x1xf32, #tpu.memory_space<vmem>>, vector<512x1xf32>
    %dot_general3A_61 = arith.constant dense<0.000000e+00> : vector<128x1xf32>
    %dot_general3A_62 = tpu.matmul %slice3A_57, %get3A_60, %dot_general3A_61 {dimension_numbers = #tpu.dot_dimension_numbers<[1], [0], [0], [1], [0, 0, 1, 1], [], []>, transpose_lhs_hint = false} : vector<128x512xf32>, vector<512x1xf32>, vector<128x1xf32> -> vector<128x1xf32>
    %exp3A_63 = math.exp %dot_general3A_62 : vector<128x1xf32>
    %slice3A_64 = vector.extract_strided_slice %get3A_3 {offsets = [1152, 0], sizes = [128, 512], strides = [1, 1]} : vector<2048x512xf32> to vector<128x512xf32>
    %get3A_65 = arith.constant 0 : index
    %get3A_66 = arith.constant 0 : index
    %get3A_67 = vector.load %arg4[%get3A_65, %get3A_66] : memref<512x1xf32, #tpu.memory_space<vmem>>, vector<512x1xf32>
    %dot_general3A_68 = arith.constant dense<0.000000e+00> : vector<128x1xf32>
    %dot_general3A_69 = tpu.matmul %slice3A_64, %get3A_67, %dot_general3A_68 {dimension_numbers = #tpu.dot_dimension_numbers<[1], [0], [0], [1], [0, 0, 1, 1], [], []>, transpose_lhs_hint = false} : vector<128x512xf32>, vector<512x1xf32>, vector<128x1xf32> -> vector<128x1xf32>
    %exp3A_70 = math.exp %dot_general3A_69 : vector<128x1xf32>
    %slice3A_71 = vector.extract_strided_slice %get3A_3 {offsets = [1280, 0], sizes = [128, 512], strides = [1, 1]} : vector<2048x512xf32> to vector<128x512xf32>
    %get3A_72 = arith.constant 0 : index
    %get3A_73 = arith.constant 0 : index
    %get3A_74 = vector.load %arg4[%get3A_72, %get3A_73] : memref<512x1xf32, #tpu.memory_space<vmem>>, vector<512x1xf32>
    %dot_general3A_75 = arith.constant dense<0.000000e+00> : vector<128x1xf32>
    %dot_general3A_76 = tpu.matmul %slice3A_71, %get3A_74, %dot_general3A_75 {dimension_numbers = #tpu.dot_dimension_numbers<[1], [0], [0], [1], [0, 0, 1, 1], [], []>, transpose_lhs_hint = false} : vector<128x512xf32>, vector<512x1xf32>, vector<128x1xf32> -> vector<128x1xf32>
    %exp3A_77 = math.exp %dot_general3A_76 : vector<128x1xf32>
    %slice3A_78 = vector.extract_strided_slice %get3A_3 {offsets = [1408, 0], sizes = [128, 512], strides = [1, 1]} : vector<2048x512xf32> to vector<128x512xf32>
    %get3A_79 = arith.constant 0 : index
    %get3A_80 = arith.constant 0 : index
    %get3A_81 = vector.load %arg4[%get3A_79, %get3A_80] : memref<512x1xf32, #tpu.memory_space<vmem>>, vector<512x1xf32>
    %dot_general3A_82 = arith.constant dense<0.000000e+00> : vector<128x1xf32>
    %dot_general3A_83 = tpu.matmul %slice3A_78, %get3A_81, %dot_general3A_82 {dimension_numbers = #tpu.dot_dimension_numbers<[1], [0], [0], [1], [0, 0, 1, 1], [], []>, transpose_lhs_hint = false} : vector<128x512xf32>, vector<512x1xf32>, vector<128x1xf32> -> vector<128x1xf32>
    %exp3A_84 = math.exp %dot_general3A_83 : vector<128x1xf32>
    %slice3A_85 = vector.extract_strided_slice %get3A_3 {offsets = [1536, 0], sizes = [128, 512], strides = [1, 1]} : vector<2048x512xf32> to vector<128x512xf32>
    %get3A_86 = arith.constant 0 : index
    %get3A_87 = arith.constant 0 : index
    %get3A_88 = vector.load %arg4[%get3A_86, %get3A_87] : memref<512x1xf32, #tpu.memory_space<vmem>>, vector<512x1xf32>
    %dot_general3A_89 = arith.constant dense<0.000000e+00> : vector<128x1xf32>
    %dot_general3A_90 = tpu.matmul %slice3A_85, %get3A_88, %dot_general3A_89 {dimension_numbers = #tpu.dot_dimension_numbers<[1], [0], [0], [1], [0, 0, 1, 1], [], []>, transpose_lhs_hint = false} : vector<128x512xf32>, vector<512x1xf32>, vector<128x1xf32> -> vector<128x1xf32>
    %exp3A_91 = math.exp %dot_general3A_90 : vector<128x1xf32>
    %slice3A_92 = vector.extract_strided_slice %get3A_3 {offsets = [1664, 0], sizes = [128, 512], strides = [1, 1]} : vector<2048x512xf32> to vector<128x512xf32>
    %get3A_93 = arith.constant 0 : index
    %get3A_94 = arith.constant 0 : index
    %get3A_95 = vector.load %arg4[%get3A_93, %get3A_94] : memref<512x1xf32, #tpu.memory_space<vmem>>, vector<512x1xf32>
    %dot_general3A_96 = arith.constant dense<0.000000e+00> : vector<128x1xf32>
    %dot_general3A_97 = tpu.matmul %slice3A_92, %get3A_95, %dot_general3A_96 {dimension_numbers = #tpu.dot_dimension_numbers<[1], [0], [0], [1], [0, 0, 1, 1], [], []>, transpose_lhs_hint = false} : vector<128x512xf32>, vector<512x1xf32>, vector<128x1xf32> -> vector<128x1xf32>
    %exp3A_98 = math.exp %dot_general3A_97 : vector<128x1xf32>
    %slice3A_99 = vector.extract_strided_slice %get3A_3 {offsets = [1792, 0], sizes = [128, 512], strides = [1, 1]} : vector<2048x512xf32> to vector<128x512xf32>
    %get3A_100 = arith.constant 0 : index
    %get3A_101 = arith.constant 0 : index
    %get3A_102 = vector.load %arg4[%get3A_100, %get3A_101] : memref<512x1xf32, #tpu.memory_space<vmem>>, vector<512x1xf32>
    %dot_general3A_103 = arith.constant dense<0.000000e+00> : vector<128x1xf32>
    %dot_general3A_104 = tpu.matmul %slice3A_99, %get3A_102, %dot_general3A_103 {dimension_numbers = #tpu.dot_dimension_numbers<[1], [0], [0], [1], [0, 0, 1, 1], [], []>, transpose_lhs_hint = false} : vector<128x512xf32>, vector<512x1xf32>, vector<128x1xf32> -> vector<128x1xf32>
    %exp3A_105 = math.exp %dot_general3A_104 : vector<128x1xf32>
    %slice3A_106 = vector.extract_strided_slice %get3A_3 {offsets = [1920, 0], sizes = [128, 512], strides = [1, 1]} : vector<2048x512xf32> to vector<128x512xf32>
    %get3A_107 = arith.constant 0 : index
    %get3A_108 = arith.constant 0 : index
    %get3A_109 = vector.load %arg4[%get3A_107, %get3A_108] : memref<512x1xf32, #tpu.memory_space<vmem>>, vector<512x1xf32>
    %dot_general3A_110 = arith.constant dense<0.000000e+00> : vector<128x1xf32>
    %dot_general3A_111 = tpu.matmul %slice3A_106, %get3A_109, %dot_general3A_110 {dimension_numbers = #tpu.dot_dimension_numbers<[1], [0], [0], [1], [0, 0, 1, 1], [], []>, transpose_lhs_hint = false} : vector<128x512xf32>, vector<512x1xf32>, vector<128x1xf32> -> vector<128x1xf32>
    %exp3A_112 = math.exp %dot_general3A_111 : vector<128x1xf32>
    %concatenate3A = tpu.concatenate %exp3A, %exp3A_14, %exp3A_21, %exp3A_28, %exp3A_35, %exp3A_42, %exp3A_49, %exp3A_56, %exp3A_63, %exp3A_70, %exp3A_77, %exp3A_84, %exp3A_91, %exp3A_98, %exp3A_105, %exp3A_112 in 0 : vector<128x1xf32>, vector<128x1xf32>, vector<128x1xf32>, vector<128x1xf32>, vector<128x1xf32>, vector<128x1xf32>, vector<128x1xf32>, vector<128x1xf32>, vector<128x1xf32>, vector<128x1xf32>, vector<128x1xf32>, vector<128x1xf32>, vector<128x1xf32>, vector<128x1xf32>, vector<128x1xf32>, vector<128x1xf32> -> vector<2048x1xf32>
    %get3A_113 = arith.constant 0 : index
    %get3A_114 = arith.constant 0 : index
    %get3A_115 = arith.constant 0 : index
    %get3A_116 = vector.load %arg2[%get3A_113, %get3A_114, %get3A_115] : memref<1x1x128xi32, #tpu.memory_space<vmem>>, vector<1x1x128xi32>
    %get3A_117 = vector.shape_cast %get3A_116 : vector<1x1x128xi32> to vector<128xi32>
    %get3A_118 = arith.constant 0 : index
    %get3A_119 = arith.constant 0 : index
    %get3A_120 = arith.constant 0 : index
    %get3A_121 = vector.load %arg3[%get3A_118, %get3A_119, %get3A_120] : memref<1x1x128xi32, #tpu.memory_space<vmem>>, vector<1x1x128xi32>
    %get3A_122 = vector.shape_cast %get3A_121 : vector<1x1x128xi32> to vector<128xi32>
    %mul3A = arith.constant 2048 : i32
    %mul3A_123 = arith.muli %arg0, %mul3A : i32
    %add3A = vector.broadcast %mul3A_123 : i32 to vector<128xi32>
    %add3A_124 = arith.addi %get3A_117, %add3A : vector<128xi32>
    %swap3A = arith.constant 0 : index
    %swap3A_125 = arith.constant 0 : index
    %swap3A_126 = arith.constant 0 : index
    %swap3A_127 = vector.load %arg7[%swap3A, %swap3A_125, %swap3A_126] : memref<1x1x128xi32, #tpu.memory_space<vmem>>, vector<1x1x128xi32>
    %swap3A_128 = vector.shape_cast %swap3A_127 : vector<1x1x128xi32> to vector<128xi32>
    %swap3A_129 = vector.shape_cast %add3A_124 : vector<128xi32> to vector<1x1x128xi32>
    tpu.vector_store %arg7[%swap3A, %swap3A_125, %swap3A_126], %swap3A_129 {strides = array<i32>} : memref<1x1x128xi32, #tpu.memory_space<vmem>>, vector<1x1x128xi32>,
    %add3A_130 = arith.constant 1 : i32
    %add3A_131 = vector.broadcast %add3A_130 : i32 to vector<128xi32>
    %add3A_132 = arith.addi %get3A_122, %add3A_131 : vector<128xi32>
    %mul3A_133 = arith.constant 2048 : i32
    %mul3A_134 = arith.muli %arg0, %mul3A_133 : i32
    %add3A_135 = vector.broadcast %mul3A_134 : i32 to vector<128xi32>
    %add3A_136 = arith.addi %add3A_132, %add3A_135 : vector<128xi32>
    %swap3A_137 = arith.constant 0 : index
    %swap3A_138 = arith.constant 0 : index
    %swap3A_139 = arith.constant 0 : index
    %swap3A_140 = vector.load %arg8[%swap3A_137, %swap3A_138, %swap3A_139] : memref<1x1x128xi32, #tpu.memory_space<vmem>>, vector<1x1x128xi32>
    %swap3A_141 = vector.shape_cast %swap3A_140 : vector<1x1x128xi32> to vector<128xi32>
    %swap3A_142 = vector.shape_cast %add3A_136 : vector<128xi32> to vector<1x1x128xi32>
    tpu.vector_store %arg8[%swap3A_137, %swap3A_138, %swap3A_139], %swap3A_142 {strides = array<i32>} : memref<1x1x128xi32, #tpu.memory_space<vmem>>, vector<1x1x128xi32>,
    %iota3A = tpu.iota {dimensions = array<i32: 1>} : vector<128x2048xi32>
    %broadcast_in_dim3A = vector.shape_cast %get3A_117 : vector<128xi32> to vector<128x1xi32>
    %ge3A = vector.broadcast %broadcast_in_dim3A : vector<128x1xi32> to vector<128x2048xi32>
    %ge3A_143 = arith.cmpi sge, %iota3A, %ge3A : vector<128x2048xi32>
    %broadcast_in_dim3A_144 = vector.shape_cast %get3A_122 : vector<128xi32> to vector<128x1xi32>
    %le3A = vector.broadcast %broadcast_in_dim3A_144 : vector<128x1xi32> to vector<128x2048xi32>
    %le3A_145 = arith.cmpi sle, %iota3A, %le3A : vector<128x2048xi32>
    %and3A = arith.andi %ge3A_143, %le3A_145 : vector<128x2048xi1>
    %convert_element_type3A = arith.extui %and3A : vector<128x2048xi1> to vector<128x2048xi32>
    %convert_element_type3A_146 = arith.sitofp %convert_element_type3A : vector<128x2048xi32> to vector<128x2048xf32>
    %dot_general3A_147 = arith.constant dense<0.000000e+00> : vector<128x1xf32>
    %dot_general3A_148 = tpu.matmul %convert_element_type3A_146, %concatenate3A, %dot_general3A_147 {dimension_numbers = #tpu.dot_dimension_numbers<[1], [0], [0], [1], [0, 0, 1, 1], [], []>, transpose_lhs_hint = false} : vector<128x2048xf32>, vector<2048x1xf32>, vector<128x1xf32> -> vector<128x1xf32>
    %div3A = arith.constant 1.000000e+00 : f32
    %div3A_149 = vector.broadcast %div3A : f32 to vector<128x1xf32>
    %div3A_150 = arith.divf %div3A_149, %dot_general3A_148 : vector<128x1xf32>
    %broadcast_in_dim3A_151 = vector.shape_cast %div3A_150 : vector<128x1xf32> to vector<128x1xf32>
    %broadcast_in_dim3A_152 = vector.broadcast %broadcast_in_dim3A_151 : vector<128x1xf32> to vector<128x16xf32>
    %swap3A_153 = arith.constant 0 : index
    %swap3A_154 = arith.constant 0 : index
    %swap3A_155 = arith.constant 0 : index
    %swap3A_156 = vector.load %arg6[%swap3A_153, %swap3A_154, %swap3A_155] : memref<1x128x16xf32, #tpu.memory_space<vmem>>, vector<1x128x16xf32>
    %swap3A_157 = vector.shape_cast %swap3A_156 : vector<1x128x16xf32> to vector<128x16xf32>
    %swap3A_158 = vector.shape_cast %broadcast_in_dim3A_152 : vector<128x16xf32> to vector<1x128x16xf32>
    tpu.vector_store %arg6[%swap3A_153, %swap3A_154, %swap3A_155], %swap3A_158 {strides = array<i32>} : memref<1x128x16xf32, #tpu.memory_space<vmem>>, vector<1x128x16xf32>,
    %iota3A_159 = tpu.iota {dimensions = array<i32: 0>} : vector<128x128xi32>
    %iota3A_160 = tpu.iota {dimensions = array<i32: 1>} : vector<128x128xi32>
    %lt3A = arith.cmpi slt, %iota3A_160, %iota3A_159 : vector<128x128xi32>
    %convert_element_type3A_161 = arith.extui %lt3A : vector<128x128xi1> to vector<128x128xi32>
    %convert_element_type3A_162 = arith.sitofp %convert_element_type3A_161 : vector<128x128xi32> to vector<128x128xf32>
    %broadcast_in_dim3A_163 = arith.constant 0.000000e+00 : f32
    %broadcast_in_dim3A_164 = vector.broadcast %broadcast_in_dim3A_163 : f32 to vector<1x512xf32>
    %slice3A_165 = vector.extract_strided_slice %get3A_3 {offsets = [0, 0], sizes = [128, 512], strides = [1, 1]} : vector<2048x512xf32> to vector<128x512xf32>
    %mul3A_166 = vector.broadcast %exp3A : vector<128x1xf32> to vector<128x512xf32>
    %mul3A_167 = arith.mulf %slice3A_165, %mul3A_166 : vector<128x512xf32>
    %dot_general3A_168 = arith.constant dense<0.000000e+00> : vector<128x512xf32>
    %dot_general3A_169 = tpu.matmul %convert_element_type3A_162, %mul3A_167, %dot_general3A_168 {dimension_numbers = #tpu.dot_dimension_numbers<[1], [0], [0], [1], [0, 0, 1, 1], [], []>, transpose_lhs_hint = false} : vector<128x128xf32>, vector<128x512xf32>, vector<128x512xf32> -> vector<128x512xf32>
    %add3A_170 = vector.broadcast %broadcast_in_dim3A_164 : vector<1x512xf32> to vector<128x512xf32>
    %add3A_171 = arith.addf %dot_general3A_169, %add3A_170 : vector<128x512xf32>
    %swap3A_172 = arith.constant 0 : index
    %swap3A_173 = arith.constant 0 : index
    %swap3A_174 = arith.constant 0 : index
    %swap3A_175 = vector.load %arg5[%swap3A_172, %swap3A_173, %swap3A_174] : memref<1x2048x512xf32, #tpu.memory_space<vmem>>, vector<1x128x512xf32>
    %swap3A_176 = vector.shape_cast %swap3A_175 : vector<1x128x512xf32> to vector<128x512xf32>
    %swap3A_177 = vector.shape_cast %add3A_171 : vector<128x512xf32> to vector<1x128x512xf32>
    tpu.vector_store %arg5[%swap3A_172, %swap3A_173, %swap3A_174], %swap3A_177 {strides = array<i32>} : memref<1x2048x512xf32, #tpu.memory_space<vmem>>, vector<1x128x512xf32>,
    %reduce_sum3A = arith.constant dense<0.000000e+00> : vector<512xf32>
    %reduce_sum3A_178 = vector.multi_reduction <add>, %mul3A_167, %reduce_sum3A [0] : vector<128x512xf32> to vector<512xf32>
    %broadcast_in_dim3A_179 = vector.shape_cast %reduce_sum3A_178 : vector<512xf32> to vector<1x512xf32>
    %add3A_180 = arith.addf %broadcast_in_dim3A_164, %broadcast_in_dim3A_179 : vector<1x512xf32>
    %slice3A_181 = vector.extract_strided_slice %get3A_3 {offsets = [128, 0], sizes = [128, 512], strides = [1, 1]} : vector<2048x512xf32> to vector<128x512xf32>
    %mul3A_182 = vector.broadcast %exp3A_14 : vector<128x1xf32> to vector<128x512xf32>
    %mul3A_183 = arith.mulf %slice3A_181, %mul3A_182 : vector<128x512xf32>
    %dot_general3A_184 = arith.constant dense<0.000000e+00> : vector<128x512xf32>
    %dot_general3A_185 = tpu.matmul %convert_element_type3A_162, %mul3A_183, %dot_general3A_184 {dimension_numbers = #tpu.dot_dimension_numbers<[1], [0], [0], [1], [0, 0, 1, 1], [], []>, transpose_lhs_hint = false} : vector<128x128xf32>, vector<128x512xf32>, vector<128x512xf32> -> vector<128x512xf32>
    %add3A_186 = vector.broadcast %add3A_180 : vector<1x512xf32> to vector<128x512xf32>
    %add3A_187 = arith.addf %dot_general3A_185, %add3A_186 : vector<128x512xf32>
    %swap3A_188 = arith.constant 0 : index
    %swap3A_189 = arith.constant 128 : index
    %swap3A_190 = arith.constant 0 : index
    %swap3A_191 = vector.load %arg5[%swap3A_188, %swap3A_189, %swap3A_190] : memref<1x2048x512xf32, #tpu.memory_space<vmem>>, vector<1x128x512xf32>
    %swap3A_192 = vector.shape_cast %swap3A_191 : vector<1x128x512xf32> to vector<128x512xf32>
    %swap3A_193 = vector.shape_cast %add3A_187 : vector<128x512xf32> to vector<1x128x512xf32>
    tpu.vector_store %arg5[%swap3A_188, %swap3A_189, %swap3A_190], %swap3A_193 {strides = array<i32>} : memref<1x2048x512xf32, #tpu.memory_space<vmem>>, vector<1x128x512xf32>,
    %reduce_sum3A_194 = arith.constant dense<0.000000e+00> : vector<512xf32>
    %reduce_sum3A_195 = vector.multi_reduction <add>, %mul3A_183, %reduce_sum3A_194 [0] : vector<128x512xf32> to vector<512xf32>
    %broadcast_in_dim3A_196 = vector.shape_cast %reduce_sum3A_195 : vector<512xf32> to vector<1x512xf32>
    %add3A_197 = arith.addf %add3A_180, %broadcast_in_dim3A_196 : vector<1x512xf32>
    %slice3A_198 = vector.extract_strided_slice %get3A_3 {offsets = [256, 0], sizes = [128, 512], strides = [1, 1]} : vector<2048x512xf32> to vector<128x512xf32>
    %mul3A_199 = vector.broadcast %exp3A_21 : vector<128x1xf32> to vector<128x512xf32>
    %mul3A_200 = arith.mulf %slice3A_198, %mul3A_199 : vector<128x512xf32>
    %dot_general3A_201 = arith.constant dense<0.000000e+00> : vector<128x512xf32>
    %dot_general3A_202 = tpu.matmul %convert_element_type3A_162, %mul3A_200, %dot_general3A_201 {dimension_numbers = #tpu.dot_dimension_numbers<[1], [0], [0], [1], [0, 0, 1, 1], [], []>, transpose_lhs_hint = false} : vector<128x128xf32>, vector<128x512xf32>, vector<128x512xf32> -> vector<128x512xf32>
    %add3A_203 = vector.broadcast %add3A_197 : vector<1x512xf32> to vector<128x512xf32>
    %add3A_204 = arith.addf %dot_general3A_202, %add3A_203 : vector<128x512xf32>
    %swap3A_205 = arith.constant 0 : index
    %swap3A_206 = arith.constant 256 : index
    %swap3A_207 = arith.constant 0 : index
    %swap3A_208 = vector.load %arg5[%swap3A_205, %swap3A_206, %swap3A_207] : memref<1x2048x512xf32, #tpu.memory_space<vmem>>, vector<1x128x512xf32>
    %swap3A_209 = vector.shape_cast %swap3A_208 : vector<1x128x512xf32> to vector<128x512xf32>
    %swap3A_210 = vector.shape_cast %add3A_204 : vector<128x512xf32> to vector<1x128x512xf32>
    tpu.vector_store %arg5[%swap3A_205, %swap3A_206, %swap3A_207], %swap3A_210 {strides = array<i32>} : memref<1x2048x512xf32, #tpu.memory_space<vmem>>, vector<1x128x512xf32>,
    %reduce_sum3A_211 = arith.constant dense<0.000000e+00> : vector<512xf32>
    %reduce_sum3A_212 = vector.multi_reduction <add>, %mul3A_200, %reduce_sum3A_211 [0] : vector<128x512xf32> to vector<512xf32>
    %broadcast_in_dim3A_213 = vector.shape_cast %reduce_sum3A_212 : vector<512xf32> to vector<1x512xf32>
    %add3A_214 = arith.addf %add3A_197, %broadcast_in_dim3A_213 : vector<1x512xf32>
    %slice3A_215 = vector.extract_strided_slice %get3A_3 {offsets = [384, 0], sizes = [128, 512], strides = [1, 1]} : vector<2048x512xf32> to vector<128x512xf32>
    %mul3A_216 = vector.broadcast %exp3A_28 : vector<128x1xf32> to vector<128x512xf32>
    %mul3A_217 = arith.mulf %slice3A_215, %mul3A_216 : vector<128x512xf32>
    %dot_general3A_218 = arith.constant dense<0.000000e+00> : vector<128x512xf32>
    %dot_general3A_219 = tpu.matmul %convert_element_type3A_162, %mul3A_217, %dot_general3A_218 {dimension_numbers = #tpu.dot_dimension_numbers<[1], [0], [0], [1], [0, 0, 1, 1], [], []>, transpose_lhs_hint = false} : vector<128x128xf32>, vector<128x512xf32>, vector<128x512xf32> -> vector<128x512xf32>
    %add3A_220 = vector.broadcast %add3A_214 : vector<1x512xf32> to vector<128x512xf32>
    %add3A_221 = arith.addf %dot_general3A_219, %add3A_220 : vector<128x512xf32>
    %swap3A_222 = arith.constant 0 : index
    %swap3A_223 = arith.constant 384 : index
    %swap3A_224 = arith.constant 0 : index
    %swap3A_225 = vector.load %arg5[%swap3A_222, %swap3A_223, %swap3A_224] : memref<1x2048x512xf32, #tpu.memory_space<vmem>>, vector<1x128x512xf32>
    %swap3A_226 = vector.shape_cast %swap3A_225 : vector<1x128x512xf32> to vector<128x512xf32>
    %swap3A_227 = vector.shape_cast %add3A_221 : vector<128x512xf32> to vector<1x128x512xf32>
    tpu.vector_store %arg5[%swap3A_222, %swap3A_223, %swap3A_224], %swap3A_227 {strides = array<i32>} : memref<1x2048x512xf32, #tpu.memory_space<vmem>>, vector<1x128x512xf32>,
    %reduce_sum3A_228 = arith.constant dense<0.000000e+00> : vector<512xf32>
    %reduce_sum3A_229 = vector.multi_reduction <add>, %mul3A_217, %reduce_sum3A_228 [0] : vector<128x512xf32> to vector<512xf32>
    %broadcast_in_dim3A_230 = vector.shape_cast %reduce_sum3A_229 : vector<512xf32> to vector<1x512xf32>
    %add3A_231 = arith.addf %add3A_214, %broadcast_in_dim3A_230 : vector<1x512xf32>
    %slice3A_232 = vector.extract_strided_slice %get3A_3 {offsets = [512, 0], sizes = [128, 512], strides = [1, 1]} : vector<2048x512xf32> to vector<128x512xf32>
    %mul3A_233 = vector.broadcast %exp3A_35 : vector<128x1xf32> to vector<128x512xf32>
    %mul3A_234 = arith.mulf %slice3A_232, %mul3A_233 : vector<128x512xf32>
    %dot_general3A_235 = arith.constant dense<0.000000e+00> : vector<128x512xf32>
    %dot_general3A_236 = tpu.matmul %convert_element_type3A_162, %mul3A_234, %dot_general3A_235 {dimension_numbers = #tpu.dot_dimension_numbers<[1], [0], [0], [1], [0, 0, 1, 1], [], []>, transpose_lhs_hint = false} : vector<128x128xf32>, vector<128x512xf32>, vector<128x512xf32> -> vector<128x512xf32>
    %add3A_237 = vector.broadcast %add3A_231 : vector<1x512xf32> to vector<128x512xf32>
    %add3A_238 = arith.addf %dot_general3A_236, %add3A_237 : vector<128x512xf32>
    %swap3A_239 = arith.constant 0 : index
    %swap3A_240 = arith.constant 512 : index
    %swap3A_241 = arith.constant 0 : index
    %swap3A_242 = vector.load %arg5[%swap3A_239, %swap3A_240, %swap3A_241] : memref<1x2048x512xf32, #tpu.memory_space<vmem>>, vector<1x128x512xf32>
    %swap3A_243 = vector.shape_cast %swap3A_242 : vector<1x128x512xf32> to vector<128x512xf32>
    %swap3A_244 = vector.shape_cast %add3A_238 : vector<128x512xf32> to vector<1x128x512xf32>
    tpu.vector_store %arg5[%swap3A_239, %swap3A_240, %swap3A_241], %swap3A_244 {strides = array<i32>} : memref<1x2048x512xf32, #tpu.memory_space<vmem>>, vector<1x128x512xf32>,
    %reduce_sum3A_245 = arith.constant dense<0.000000e+00> : vector<512xf32>
    %reduce_sum3A_246 = vector.multi_reduction <add>, %mul3A_234, %reduce_sum3A_245 [0] : vector<128x512xf32> to vector<512xf32>
    %broadcast_in_dim3A_247 = vector.shape_cast %reduce_sum3A_246 : vector<512xf32> to vector<1x512xf32>
    %add3A_248 = arith.addf %add3A_231, %broadcast_in_dim3A_247 : vector<1x512xf32>
    %slice3A_249 = vector.extract_strided_slice %get3A_3 {offsets = [640, 0], sizes = [128, 512], strides = [1, 1]} : vector<2048x512xf32> to vector<128x512xf32>
    %mul3A_250 = vector.broadcast %exp3A_42 : vector<128x1xf32> to vector<128x512xf32>
    %mul3A_251 = arith.mulf %slice3A_249, %mul3A_250 : vector<128x512xf32>
    %dot_general3A_252 = arith.constant dense<0.000000e+00> : vector<128x512xf32>
    %dot_general3A_253 = tpu.matmul %convert_element_type3A_162, %mul3A_251, %dot_general3A_252 {dimension_numbers = #tpu.dot_dimension_numbers<[1], [0], [0], [1], [0, 0, 1, 1], [], []>, transpose_lhs_hint = false} : vector<128x128xf32>, vector<128x512xf32>, vector<128x512xf32> -> vector<128x512xf32>
    %add3A_254 = vector.broadcast %add3A_248 : vector<1x512xf32> to vector<128x512xf32>
    %add3A_255 = arith.addf %dot_general3A_253, %add3A_254 : vector<128x512xf32>
    %swap3A_256 = arith.constant 0 : index
    %swap3A_257 = arith.constant 640 : index
    %swap3A_258 = arith.constant 0 : index
    %swap3A_259 = vector.load %arg5[%swap3A_256, %swap3A_257, %swap3A_258] : memref<1x2048x512xf32, #tpu.memory_space<vmem>>, vector<1x128x512xf32>
    %swap3A_260 = vector.shape_cast %swap3A_259 : vector<1x128x512xf32> to vector<128x512xf32>
    %swap3A_261 = vector.shape_cast %add3A_255 : vector<128x512xf32> to vector<1x128x512xf32>
    tpu.vector_store %arg5[%swap3A_256, %swap3A_257, %swap3A_258], %swap3A_261 {strides = array<i32>} : memref<1x2048x512xf32, #tpu.memory_space<vmem>>, vector<1x128x512xf32>,
    %reduce_sum3A_262 = arith.constant dense<0.000000e+00> : vector<512xf32>
    %reduce_sum3A_263 = vector.multi_reduction <add>, %mul3A_251, %reduce_sum3A_262 [0] : vector<128x512xf32> to vector<512xf32>
    %broadcast_in_dim3A_264 = vector.shape_cast %reduce_sum3A_263 : vector<512xf32> to vector<1x512xf32>
    %add3A_265 = arith.addf %add3A_248, %broadcast_in_dim3A_264 : vector<1x512xf32>
    %slice3A_266 = vector.extract_strided_slice %get3A_3 {offsets = [768, 0], sizes = [128, 512], strides = [1, 1]} : vector<2048x512xf32> to vector<128x512xf32>
    %mul3A_267 = vector.broadcast %exp3A_49 : vector<128x1xf32> to vector<128x512xf32>
    %mul3A_268 = arith.mulf %slice3A_266, %mul3A_267 : vector<128x512xf32>
    %dot_general3A_269 = arith.constant dense<0.000000e+00> : vector<128x512xf32>
    %dot_general3A_270 = tpu.matmul %convert_element_type3A_162, %mul3A_268, %dot_general3A_269 {dimension_numbers = #tpu.dot_dimension_numbers<[1], [0], [0], [1], [0, 0, 1, 1], [], []>, transpose_lhs_hint = false} : vector<128x128xf32>, vector<128x512xf32>, vector<128x512xf32> -> vector<128x512xf32>
    %add3A_271 = vector.broadcast %add3A_265 : vector<1x512xf32> to vector<128x512xf32>
    %add3A_272 = arith.addf %dot_general3A_270, %add3A_271 : vector<128x512xf32>
    %swap3A_273 = arith.constant 0 : index
    %swap3A_274 = arith.constant 768 : index
    %swap3A_275 = arith.constant 0 : index
    %swap3A_276 = vector.load %arg5[%swap3A_273, %swap3A_274, %swap3A_275] : memref<1x2048x512xf32, #tpu.memory_space<vmem>>, vector<1x128x512xf32>
    %swap3A_277 = vector.shape_cast %swap3A_276 : vector<1x128x512xf32> to vector<128x512xf32>
    %swap3A_278 = vector.shape_cast %add3A_272 : vector<128x512xf32> to vector<1x128x512xf32>
    tpu.vector_store %arg5[%swap3A_273, %swap3A_274, %swap3A_275], %swap3A_278 {strides = array<i32>} : memref<1x2048x512xf32, #tpu.memory_space<vmem>>, vector<1x128x512xf32>,
    %reduce_sum3A_279 = arith.constant dense<0.000000e+00> : vector<512xf32>
    %reduce_sum3A_280 = vector.multi_reduction <add>, %mul3A_268, %reduce_sum3A_279 [0] : vector<128x512xf32> to vector<512xf32>
    %broadcast_in_dim3A_281 = vector.shape_cast %reduce_sum3A_280 : vector<512xf32> to vector<1x512xf32>
    %add3A_282 = arith.addf %add3A_265, %broadcast_in_dim3A_281 : vector<1x512xf32>
    %slice3A_283 = vector.extract_strided_slice %get3A_3 {offsets = [896, 0], sizes = [128, 512], strides = [1, 1]} : vector<2048x512xf32> to vector<128x512xf32>
    %mul3A_284 = vector.broadcast %exp3A_56 : vector<128x1xf32> to vector<128x512xf32>
    %mul3A_285 = arith.mulf %slice3A_283, %mul3A_284 : vector<128x512xf32>
    %dot_general3A_286 = arith.constant dense<0.000000e+00> : vector<128x512xf32>
    %dot_general3A_287 = tpu.matmul %convert_element_type3A_162, %mul3A_285, %dot_general3A_286 {dimension_numbers = #tpu.dot_dimension_numbers<[1], [0], [0], [1], [0, 0, 1, 1], [], []>, transpose_lhs_hint = false} : vector<128x128xf32>, vector<128x512xf32>, vector<128x512xf32> -> vector<128x512xf32>
    %add3A_288 = vector.broadcast %add3A_282 : vector<1x512xf32> to vector<128x512xf32>
    %add3A_289 = arith.addf %dot_general3A_287, %add3A_288 : vector<128x512xf32>
    %swap3A_290 = arith.constant 0 : index
    %swap3A_291 = arith.constant 896 : index
    %swap3A_292 = arith.constant 0 : index
    %swap3A_293 = vector.load %arg5[%swap3A_290, %swap3A_291, %swap3A_292] : memref<1x2048x512xf32, #tpu.memory_space<vmem>>, vector<1x128x512xf32>
    %swap3A_294 = vector.shape_cast %swap3A_293 : vector<1x128x512xf32> to vector<128x512xf32>
    %swap3A_295 = vector.shape_cast %add3A_289 : vector<128x512xf32> to vector<1x128x512xf32>
    tpu.vector_store %arg5[%swap3A_290, %swap3A_291, %swap3A_292], %swap3A_295 {strides = array<i32>} : memref<1x2048x512xf32, #tpu.memory_space<vmem>>, vector<1x128x512xf32>,
    %reduce_sum3A_296 = arith.constant dense<0.000000e+00> : vector<512xf32>
    %reduce_sum3A_297 = vector.multi_reduction <add>, %mul3A_285, %reduce_sum3A_296 [0] : vector<128x512xf32> to vector<512xf32>
    %broadcast_in_dim3A_298 = vector.shape_cast %reduce_sum3A_297 : vector<512xf32> to vector<1x512xf32>
    %add3A_299 = arith.addf %add3A_282, %broadcast_in_dim3A_298 : vector<1x512xf32>
    %slice3A_300 = vector.extract_strided_slice %get3A_3 {offsets = [1024, 0], sizes = [128, 512], strides = [1, 1]} : vector<2048x512xf32> to vector<128x512xf32>
    %mul3A_301 = vector.broadcast %exp3A_63 : vector<128x1xf32> to vector<128x512xf32>
    %mul3A_302 = arith.mulf %slice3A_300, %mul3A_301 : vector<128x512xf32>
    %dot_general3A_303 = arith.constant dense<0.000000e+00> : vector<128x512xf32>
    %dot_general3A_304 = tpu.matmul %convert_element_type3A_162, %mul3A_302, %dot_general3A_303 {dimension_numbers = #tpu.dot_dimension_numbers<[1], [0], [0], [1], [0, 0, 1, 1], [], []>, transpose_lhs_hint = false} : vector<128x128xf32>, vector<128x512xf32>, vector<128x512xf32> -> vector<128x512xf32>
    %add3A_305 = vector.broadcast %add3A_299 : vector<1x512xf32> to vector<128x512xf32>
    %add3A_306 = arith.addf %dot_general3A_304, %add3A_305 : vector<128x512xf32>
    %swap3A_307 = arith.constant 0 : index
    %swap3A_308 = arith.constant 1024 : index
    %swap3A_309 = arith.constant 0 : index
    %swap3A_310 = vector.load %arg5[%swap3A_307, %swap3A_308, %swap3A_309] : memref<1x2048x512xf32, #tpu.memory_space<vmem>>, vector<1x128x512xf32>
    %swap3A_311 = vector.shape_cast %swap3A_310 : vector<1x128x512xf32> to vector<128x512xf32>
    %swap3A_312 = vector.shape_cast %add3A_306 : vector<128x512xf32> to vector<1x128x512xf32>
    tpu.vector_store %arg5[%swap3A_307, %swap3A_308, %swap3A_309], %swap3A_312 {strides = array<i32>} : memref<1x2048x512xf32, #tpu.memory_space<vmem>>, vector<1x128x512xf32>,
    %reduce_sum3A_313 = arith.constant dense<0.000000e+00> : vector<512xf32>
    %reduce_sum3A_314 = vector.multi_reduction <add>, %mul3A_302, %reduce_sum3A_313 [0] : vector<128x512xf32> to vector<512xf32>
    %broadcast_in_dim3A_315 = vector.shape_cast %reduce_sum3A_314 : vector<512xf32> to vector<1x512xf32>
    %add3A_316 = arith.addf %add3A_299, %broadcast_in_dim3A_315 : vector<1x512xf32>
    %slice3A_317 = vector.extract_strided_slice %get3A_3 {offsets = [1152, 0], sizes = [128, 512], strides = [1, 1]} : vector<2048x512xf32> to vector<128x512xf32>
    %mul3A_318 = vector.broadcast %exp3A_70 : vector<128x1xf32> to vector<128x512xf32>
    %mul3A_319 = arith.mulf %slice3A_317, %mul3A_318 : vector<128x512xf32>
    %dot_general3A_320 = arith.constant dense<0.000000e+00> : vector<128x512xf32>
    %dot_general3A_321 = tpu.matmul %convert_element_type3A_162, %mul3A_319, %dot_general3A_320 {dimension_numbers = #tpu.dot_dimension_numbers<[1], [0], [0], [1], [0, 0, 1, 1], [], []>, transpose_lhs_hint = false} : vector<128x128xf32>, vector<128x512xf32>, vector<128x512xf32> -> vector<128x512xf32>
    %add3A_322 = vector.broadcast %add3A_316 : vector<1x512xf32> to vector<128x512xf32>
    %add3A_323 = arith.addf %dot_general3A_321, %add3A_322 : vector<128x512xf32>
    %swap3A_324 = arith.constant 0 : index
    %swap3A_325 = arith.constant 1152 : index
    %swap3A_326 = arith.constant 0 : index
    %swap3A_327 = vector.load %arg5[%swap3A_324, %swap3A_325, %swap3A_326] : memref<1x2048x512xf32, #tpu.memory_space<vmem>>, vector<1x128x512xf32>
    %swap3A_328 = vector.shape_cast %swap3A_327 : vector<1x128x512xf32> to vector<128x512xf32>
    %swap3A_329 = vector.shape_cast %add3A_323 : vector<128x512xf32> to vector<1x128x512xf32>
    tpu.vector_store %arg5[%swap3A_324, %swap3A_325, %swap3A_326], %swap3A_329 {strides = array<i32>} : memref<1x2048x512xf32, #tpu.memory_space<vmem>>, vector<1x128x512xf32>,
    %reduce_sum3A_330 = arith.constant dense<0.000000e+00> : vector<512xf32>
    %reduce_sum3A_331 = vector.multi_reduction <add>, %mul3A_319, %reduce_sum3A_330 [0] : vector<128x512xf32> to vector<512xf32>
    %broadcast_in_dim3A_332 = vector.shape_cast %reduce_sum3A_331 : vector<512xf32> to vector<1x512xf32>
    %add3A_333 = arith.addf %add3A_316, %broadcast_in_dim3A_332 : vector<1x512xf32>
    %slice3A_334 = vector.extract_strided_slice %get3A_3 {offsets = [1280, 0], sizes = [128, 512], strides = [1, 1]} : vector<2048x512xf32> to vector<128x512xf32>
    %mul3A_335 = vector.broadcast %exp3A_77 : vector<128x1xf32> to vector<128x512xf32>
    %mul3A_336 = arith.mulf %slice3A_334, %mul3A_335 : vector<128x512xf32>
    %dot_general3A_337 = arith.constant dense<0.000000e+00> : vector<128x512xf32>
    %dot_general3A_338 = tpu.matmul %convert_element_type3A_162, %mul3A_336, %dot_general3A_337 {dimension_numbers = #tpu.dot_dimension_numbers<[1], [0], [0], [1], [0, 0, 1, 1], [], []>, transpose_lhs_hint = false} : vector<128x128xf32>, vector<128x512xf32>, vector<128x512xf32> -> vector<128x512xf32>
    %add3A_339 = vector.broadcast %add3A_333 : vector<1x512xf32> to vector<128x512xf32>
    %add3A_340 = arith.addf %dot_general3A_338, %add3A_339 : vector<128x512xf32>
    %swap3A_341 = arith.constant 0 : index
    %swap3A_342 = arith.constant 1280 : index
    %swap3A_343 = arith.constant 0 : index
    %swap3A_344 = vector.load %arg5[%swap3A_341, %swap3A_342, %swap3A_343] : memref<1x2048x512xf32, #tpu.memory_space<vmem>>, vector<1x128x512xf32>
    %swap3A_345 = vector.shape_cast %swap3A_344 : vector<1x128x512xf32> to vector<128x512xf32>
    %swap3A_346 = vector.shape_cast %add3A_340 : vector<128x512xf32> to vector<1x128x512xf32>
    tpu.vector_store %arg5[%swap3A_341, %swap3A_342, %swap3A_343], %swap3A_346 {strides = array<i32>} : memref<1x2048x512xf32, #tpu.memory_space<vmem>>, vector<1x128x512xf32>,
    %reduce_sum3A_347 = arith.constant dense<0.000000e+00> : vector<512xf32>
    %reduce_sum3A_348 = vector.multi_reduction <add>, %mul3A_336, %reduce_sum3A_347 [0] : vector<128x512xf32> to vector<512xf32>
    %broadcast_in_dim3A_349 = vector.shape_cast %reduce_sum3A_348 : vector<512xf32> to vector<1x512xf32>
    %add3A_350 = arith.addf %add3A_333, %broadcast_in_dim3A_349 : vector<1x512xf32>
    %slice3A_351 = vector.extract_strided_slice %get3A_3 {offsets = [1408, 0], sizes = [128, 512], strides = [1, 1]} : vector<2048x512xf32> to vector<128x512xf32>
    %mul3A_352 = vector.broadcast %exp3A_84 : vector<128x1xf32> to vector<128x512xf32>
    %mul3A_353 = arith.mulf %slice3A_351, %mul3A_352 : vector<128x512xf32>
    %dot_general3A_354 = arith.constant dense<0.000000e+00> : vector<128x512xf32>
    %dot_general3A_355 = tpu.matmul %convert_element_type3A_162, %mul3A_353, %dot_general3A_354 {dimension_numbers = #tpu.dot_dimension_numbers<[1], [0], [0], [1], [0, 0, 1, 1], [], []>, transpose_lhs_hint = false} : vector<128x128xf32>, vector<128x512xf32>, vector<128x512xf32> -> vector<128x512xf32>
    %add3A_356 = vector.broadcast %add3A_350 : vector<1x512xf32> to vector<128x512xf32>
    %add3A_357 = arith.addf %dot_general3A_355, %add3A_356 : vector<128x512xf32>
    %swap3A_358 = arith.constant 0 : index
    %swap3A_359 = arith.constant 1408 : index
    %swap3A_360 = arith.constant 0 : index
    %swap3A_361 = vector.load %arg5[%swap3A_358, %swap3A_359, %swap3A_360] : memref<1x2048x512xf32, #tpu.memory_space<vmem>>, vector<1x128x512xf32>
    %swap3A_362 = vector.shape_cast %swap3A_361 : vector<1x128x512xf32> to vector<128x512xf32>
    %swap3A_363 = vector.shape_cast %add3A_357 : vector<128x512xf32> to vector<1x128x512xf32>
    tpu.vector_store %arg5[%swap3A_358, %swap3A_359, %swap3A_360], %swap3A_363 {strides = array<i32>} : memref<1x2048x512xf32, #tpu.memory_space<vmem>>, vector<1x128x512xf32>,
    %reduce_sum3A_364 = arith.constant dense<0.000000e+00> : vector<512xf32>
    %reduce_sum3A_365 = vector.multi_reduction <add>, %mul3A_353, %reduce_sum3A_364 [0] : vector<128x512xf32> to vector<512xf32>
    %broadcast_in_dim3A_366 = vector.shape_cast %reduce_sum3A_365 : vector<512xf32> to vector<1x512xf32>
    %add3A_367 = arith.addf %add3A_350, %broadcast_in_dim3A_366 : vector<1x512xf32>
    %slice3A_368 = vector.extract_strided_slice %get3A_3 {offsets = [1536, 0], sizes = [128, 512], strides = [1, 1]} : vector<2048x512xf32> to vector<128x512xf32>
    %mul3A_369 = vector.broadcast %exp3A_91 : vector<128x1xf32> to vector<128x512xf32>
    %mul3A_370 = arith.mulf %slice3A_368, %mul3A_369 : vector<128x512xf32>
    %dot_general3A_371 = arith.constant dense<0.000000e+00> : vector<128x512xf32>
    %dot_general3A_372 = tpu.matmul %convert_element_type3A_162, %mul3A_370, %dot_general3A_371 {dimension_numbers = #tpu.dot_dimension_numbers<[1], [0], [0], [1], [0, 0, 1, 1], [], []>, transpose_lhs_hint = false} : vector<128x128xf32>, vector<128x512xf32>, vector<128x512xf32> -> vector<128x512xf32>
    %add3A_373 = vector.broadcast %add3A_367 : vector<1x512xf32> to vector<128x512xf32>
    %add3A_374 = arith.addf %dot_general3A_372, %add3A_373 : vector<128x512xf32>
    %swap3A_375 = arith.constant 0 : index
    %swap3A_376 = arith.constant 1536 : index
    %swap3A_377 = arith.constant 0 : index
    %swap3A_378 = vector.load %arg5[%swap3A_375, %swap3A_376, %swap3A_377] : memref<1x2048x512xf32, #tpu.memory_space<vmem>>, vector<1x128x512xf32>
    %swap3A_379 = vector.shape_cast %swap3A_378 : vector<1x128x512xf32> to vector<128x512xf32>
    %swap3A_380 = vector.shape_cast %add3A_374 : vector<128x512xf32> to vector<1x128x512xf32>
    tpu.vector_store %arg5[%swap3A_375, %swap3A_376, %swap3A_377], %swap3A_380 {strides = array<i32>} : memref<1x2048x512xf32, #tpu.memory_space<vmem>>, vector<1x128x512xf32>,
    %reduce_sum3A_381 = arith.constant dense<0.000000e+00> : vector<512xf32>
    %reduce_sum3A_382 = vector.multi_reduction <add>, %mul3A_370, %reduce_sum3A_381 [0] : vector<128x512xf32> to vector<512xf32>
    %broadcast_in_dim3A_383 = vector.shape_cast %reduce_sum3A_382 : vector<512xf32> to vector<1x512xf32>
    %add3A_384 = arith.addf %add3A_367, %broadcast_in_dim3A_383 : vector<1x512xf32>
    %slice3A_385 = vector.extract_strided_slice %get3A_3 {offsets = [1664, 0], sizes = [128, 512], strides = [1, 1]} : vector<2048x512xf32> to vector<128x512xf32>
    %mul3A_386 = vector.broadcast %exp3A_98 : vector<128x1xf32> to vector<128x512xf32>
    %mul3A_387 = arith.mulf %slice3A_385, %mul3A_386 : vector<128x512xf32>
    %dot_general3A_388 = arith.constant dense<0.000000e+00> : vector<128x512xf32>
    %dot_general3A_389 = tpu.matmul %convert_element_type3A_162, %mul3A_387, %dot_general3A_388 {dimension_numbers = #tpu.dot_dimension_numbers<[1], [0], [0], [1], [0, 0, 1, 1], [], []>, transpose_lhs_hint = false} : vector<128x128xf32>, vector<128x512xf32>, vector<128x512xf32> -> vector<128x512xf32>
    %add3A_390 = vector.broadcast %add3A_384 : vector<1x512xf32> to vector<128x512xf32>
    %add3A_391 = arith.addf %dot_general3A_389, %add3A_390 : vector<128x512xf32>
    %swap3A_392 = arith.constant 0 : index
    %swap3A_393 = arith.constant 1664 : index
    %swap3A_394 = arith.constant 0 : index
    %swap3A_395 = vector.load %arg5[%swap3A_392, %swap3A_393, %swap3A_394] : memref<1x2048x512xf32, #tpu.memory_space<vmem>>, vector<1x128x512xf32>
    %swap3A_396 = vector.shape_cast %swap3A_395 : vector<1x128x512xf32> to vector<128x512xf32>
    %swap3A_397 = vector.shape_cast %add3A_391 : vector<128x512xf32> to vector<1x128x512xf32>
    tpu.vector_store %arg5[%swap3A_392, %swap3A_393, %swap3A_394], %swap3A_397 {strides = array<i32>} : memref<1x2048x512xf32, #tpu.memory_space<vmem>>, vector<1x128x512xf32>,
    %reduce_sum3A_398 = arith.constant dense<0.000000e+00> : vector<512xf32>
    %reduce_sum3A_399 = vector.multi_reduction <add>, %mul3A_387, %reduce_sum3A_398 [0] : vector<128x512xf32> to vector<512xf32>
    %broadcast_in_dim3A_400 = vector.shape_cast %reduce_sum3A_399 : vector<512xf32> to vector<1x512xf32>
    %add3A_401 = arith.addf %add3A_384, %broadcast_in_dim3A_400 : vector<1x512xf32>
    %slice3A_402 = vector.extract_strided_slice %get3A_3 {offsets = [1792, 0], sizes = [128, 512], strides = [1, 1]} : vector<2048x512xf32> to vector<128x512xf32>
    %mul3A_403 = vector.broadcast %exp3A_105 : vector<128x1xf32> to vector<128x512xf32>
    %mul3A_404 = arith.mulf %slice3A_402, %mul3A_403 : vector<128x512xf32>
    %dot_general3A_405 = arith.constant dense<0.000000e+00> : vector<128x512xf32>
    %dot_general3A_406 = tpu.matmul %convert_element_type3A_162, %mul3A_404, %dot_general3A_405 {dimension_numbers = #tpu.dot_dimension_numbers<[1], [0], [0], [1], [0, 0, 1, 1], [], []>, transpose_lhs_hint = false} : vector<128x128xf32>, vector<128x512xf32>, vector<128x512xf32> -> vector<128x512xf32>
    %add3A_407 = vector.broadcast %add3A_401 : vector<1x512xf32> to vector<128x512xf32>
    %add3A_408 = arith.addf %dot_general3A_406, %add3A_407 : vector<128x512xf32>
    %swap3A_409 = arith.constant 0 : index
    %swap3A_410 = arith.constant 1792 : index
    %swap3A_411 = arith.constant 0 : index
    %swap3A_412 = vector.load %arg5[%swap3A_409, %swap3A_410, %swap3A_411] : memref<1x2048x512xf32, #tpu.memory_space<vmem>>, vector<1x128x512xf32>
    %swap3A_413 = vector.shape_cast %swap3A_412 : vector<1x128x512xf32> to vector<128x512xf32>
    %swap3A_414 = vector.shape_cast %add3A_408 : vector<128x512xf32> to vector<1x128x512xf32>
    tpu.vector_store %arg5[%swap3A_409, %swap3A_410, %swap3A_411], %swap3A_414 {strides = array<i32>} : memref<1x2048x512xf32, #tpu.memory_space<vmem>>, vector<1x128x512xf32>,
    %reduce_sum3A_415 = arith.constant dense<0.000000e+00> : vector<512xf32>
    %reduce_sum3A_416 = vector.multi_reduction <add>, %mul3A_404, %reduce_sum3A_415 [0] : vector<128x512xf32> to vector<512xf32>
    %broadcast_in_dim3A_417 = vector.shape_cast %reduce_sum3A_416 : vector<512xf32> to vector<1x512xf32>
    %add3A_418 = arith.addf %add3A_401, %broadcast_in_dim3A_417 : vector<1x512xf32>
    %slice3A_419 = vector.extract_strided_slice %get3A_3 {offsets = [1920, 0], sizes = [128, 512], strides = [1, 1]} : vector<2048x512xf32> to vector<128x512xf32>
    %mul3A_420 = vector.broadcast %exp3A_112 : vector<128x1xf32> to vector<128x512xf32>
    %mul3A_421 = arith.mulf %slice3A_419, %mul3A_420 : vector<128x512xf32>
    %dot_general3A_422 = arith.constant dense<0.000000e+00> : vector<128x512xf32>
    %dot_general3A_423 = tpu.matmul %convert_element_type3A_162, %mul3A_421, %dot_general3A_422 {dimension_numbers = #tpu.dot_dimension_numbers<[1], [0], [0], [1], [0, 0, 1, 1], [], []>, transpose_lhs_hint = false} : vector<128x128xf32>, vector<128x512xf32>, vector<128x512xf32> -> vector<128x512xf32>
    %add3A_424 = vector.broadcast %add3A_418 : vector<1x512xf32> to vector<128x512xf32>
    %add3A_425 = arith.addf %dot_general3A_423, %add3A_424 : vector<128x512xf32>
    %swap3A_426 = arith.constant 0 : index
    %swap3A_427 = arith.constant 1920 : index
    %swap3A_428 = arith.constant 0 : index
    %swap3A_429 = vector.load %arg5[%swap3A_426, %swap3A_427, %swap3A_428] : memref<1x2048x512xf32, #tpu.memory_space<vmem>>, vector<1x128x512xf32>
    %swap3A_430 = vector.shape_cast %swap3A_429 : vector<1x128x512xf32> to vector<128x512xf32>
    %swap3A_431 = vector.shape_cast %add3A_425 : vector<128x512xf32> to vector<1x128x512xf32>
    tpu.vector_store %arg5[%swap3A_426, %swap3A_427, %swap3A_428], %swap3A_431 {strides = array<i32>} : memref<1x2048x512xf32, #tpu.memory_space<vmem>>, vector<1x128x512xf32>,
    return
  }
  func.func @transform_0(%arg0: i32) -> (i32, i32, i32) {
    %c0_i32 = arith.constant 0 : i32
    %c0_i32_0 = arith.constant 0 : i32
    %c0_i32_1 = arith.constant 0 : i32
    return %arg0, %c0_i32, %c0_i32_0 : i32, i32, i32
  }
  func.func @transform_1(%arg0: i32) -> (i32, i32, i32) {
    %c0_i32 = arith.constant 0 : i32
    %c0_i32_0 = arith.constant 0 : i32
    %c0_i32_1 = arith.constant 0 : i32
    return %arg0, %c0_i32, %c0_i32_0 : i32, i32, i32
  }
  func.func @transform_2(%arg0: i32) -> (i32, i32, i32) {
    %c0_i32 = arith.constant 0 : i32
    %c0_i32_0 = arith.constant 0 : i32
    %c0_i32_1 = arith.constant 0 : i32
    return %arg0, %c0_i32, %c0_i32_0 : i32, i32, i32
  }
  func.func @transform_3(%arg0: i32) -> (i32, i32) {
    %c0_i32 = arith.constant 0 : i32
    %c0_i32_0 = arith.constant 0 : i32
    %c0_i32_1 = arith.constant 0 : i32
    return %c0_i32, %c0_i32_0 : i32, i32
  }
  func.func @transform_4(%arg0: i32) -> (i32, i32, i32) {
    %c0_i32 = arith.constant 0 : i32
    %c0_i32_0 = arith.constant 0 : i32
    %c0_i32_1 = arith.constant 0 : i32
    return %arg0, %c0_i32, %c0_i32_0 : i32, i32, i32
  }
  func.func @transform_5(%arg0: i32) -> (i32, i32, i32) {
    %c0_i32 = arith.constant 0 : i32
    %c0_i32_0 = arith.constant 0 : i32
    %c0_i32_1 = arith.constant 0 : i32
    return %arg0, %c0_i32, %c0_i32_0 : i32, i32, i32
  }
  func.func @transform_6(%arg0: i32) -> (i32, i32, i32) {
    %c0_i32 = arith.constant 0 : i32
    %c0_i32_0 = arith.constant 0 : i32
    %c0_i32_1 = arith.constant 0 : i32
    return %arg0, %c0_i32, %c0_i32_0 : i32, i32, i32
  }
  func.func @transform_7(%arg0: i32) -> (i32, i32, i32) {
    %c0_i32 = arith.constant 0 : i32
    %c0_i32_0 = arith.constant 0 : i32
    %c0_i32_1 = arith.constant 0 : i32
    return %arg0, %c0_i32, %c0_i32_0 : i32, i32, i32
  }
}

</mosaic_0001>

<sc_bundles>
// kernel: kernel.4.cloned.1.call-start
scs
__scs_entry_jumppad:
0x0: {  	(pc) =	sbr.rel $0x88, $3  }
0x1: {  	(tag) =	ssettag $0x0;
	lr =	simm.s32 $0x1  }
0x2: {  	[smem:$0x3F9E] =	sst lr;
	_ =	strace $0xD0000000  }
0x3: {  	_ = 	snop  }
0x4: {  	_ = 	snop  }
0x5: {  	_ = 	snop  }
0x6: {  	_ = 	snop  }
0x7: {  	_ = 	snop  }
__scs_overlays_trampoline_lowered:
0x8: {  	[smem:$0x3FAD] =	sst s0  }
0x9: {  	[smem:$0x3FAE] =	sst s1  }
0xa: {  	[smem:$0x3FAF] =	sst s2  }
0xb: {  	[smem:$0x3FB0] =	sst s3  }
0xc: {  	[smem:$0x3FB1] =	sst s4  }
0xd: {  	[smem:$0x3FB2] =	sst s5  }
0xe: {  	[smem:$0x3FB3] =	sst s6  }
0xf: {  	[smem:$0x3FB4] =	sst s7  }
0x10: {  	[smem:$0x3FB5] =	sst s8  }
0x11: {  	[smem:$0x3FB6] =	sst s9;
	s0 =	simm.s32 @!p0 $0x0  }
0x12: {  	s1 =	sld [smem:$0x3F9C];
	s0 =	simm.s32 @p0 $0x1  }
0x13: {  	[smem:$0x3FB7] =	sst s0;
	s0 =	simm.s32 @!p1 $0x0  }
0x14: {  	s2 =	sld [smem:$0x3F9B];
	s0 =	simm.s32 @p1 $0x1  }
0x15: {  	[smem:$0x3FB8] =	sst s0;
	s0 =	simm.s32 @!p2 $0x0  }
0x16: {  	s3 =	sld [smem:$0x3FDB];
	s0 =	simm.s32 @p2 $0x1  }
0x17: {  	s4 =	simm.s32 $0x1BF5;
	[smem:$0x3FBA] =	sst s0  }
0x18: {  	s0 =	sld [smem:$0x3F9D];
	_ =	swait.ge [sflag:s4], $0x0  }
0x19: {  	s7 =	sld [smem:$0x3F9E]  }
0x1a: {  	s8 =	sadd.s32 $0xFFFFE003, lr  }
0x1b: {  	s9 =	sadd.s32 $0xFFFFFEF7, lr;
	s5 =	simm.s32 $0xFFFFFFFF;
	p2 =	slt.u32 s8, $0xFFFFF086  }
0x1c: {  	p1 =	slt.u32 s9, $0xF7A;
	s5 =	simm.s32 @!p2 $0x0  }
0x1d: {  	s5 =	simm.s32 @p1 $0x1;
	p0 =	seq.s32 s7, s2  }
0x1e: {  	s7 =	smul.u32 @!p0 $0xF7A, s2;
	p2 =	seq.s32 @!p0 s5, $0x0  }
0x1f: {  	s9 =	smul.u32 $0xF7A, s1;
	s8 =	simm.s32 @!p0 $0x1BF5;
	p2 =	por !p2, p0  }
0x20: {  	[sflag:s8] =	ssyncset.s32 @!p0 $0xFFFFF086;
	s6 =	sadd.s32 @!p0 s3, s7;
	s7 =	simm.s32 @!p0 $0x108  }
0x21: {  	s3 =	sadd.s32 s3, s9;
	s6 =	sadd.s32 @!p0 $0x88, s6;
	s7 =	simm.s32 @p2 $0x1082  }
0x22: {  	[simem:s7], [sflag:s8] =	dma.local @!p0 [hbm:s6], $0xF7A  }
0x23: {  	s9 =	sor.u32 $0xD0000000, s2;
	s6 =	simm.s32 $0x108;
	_ =	swait.ge @!p0 [sflag:s8], $0x0  }
0x24: {  	s3 =	sadd.s32 $0x88, s3;
	s6 =	simm.s32 @!p1 $0x1082;
	[sflag:s4] =	ssyncset.s32 $0xFFFFF086  }
0x25: {  	[simem:s6], [sflag:s4] =	dma.local [hbm:s3], $0xF7A  }
0x26: {  	[smem:$0x3F9E] =	sst s1;
	(tag) =	ssettag s2;
	_ =	strace s9  }
0x27: {  	s1 =	sld [smem:$0x3FAE]  }
0x28: {  	s2 =	sld [smem:$0x3FAF]  }
0x29: {  	s4 =	sld [smem:$0x3FB1]  }
0x2a: {  	p0 =	seq.s32 s5, $0x0;
	s5 =	sld [smem:$0x3FB2]  }
0x2b: {  	s6 =	sld [smem:$0x3FB3]  }
0x2c: {  	s7 =	sld [smem:$0x3FB4]  }
0x2d: {  	s3 =	simm.s32 $0x108;
	s8 =	sld [smem:$0x3FB5]  }
0x2e: {  	s3 =	simm.s32 @!p0 $0x1082;
	s9 =	sld [smem:$0x3FB6]  }
0x2f: {  	lr =	sadd.s32 s0, s3;
	s0 =	sld [smem:$0x3FAD]  }
0x30: {  	s3 =	sld [smem:$0x3FB0]  }
0x31: {  	[smem:$0x3FB9] =	sst s10  }
0x32: {  	s10 =	sld [smem:$0x3FB7];
	_ =	sdelay $0x3  }
0x33: {  	p0 =	seq.s32 s10, $0x1;
	s10 =	sld [smem:$0x3FB9];
	_ =	sdelay $0x3  }
0x34: {  	[smem:$0x3FB9] =	sst s10  }
0x35: {  	s10 =	sld [smem:$0x3FB8];
	_ =	sdelay $0x3  }
0x36: {  	p1 =	seq.s32 s10, $0x1;
	s10 =	sld [smem:$0x3FB9];
	_ =	sdelay $0x3  }
0x37: {  	[smem:$0x3FB9] =	sst s10  }
0x38: {  	s10 =	sld [smem:$0x3FBA]  }
0x39: {  	_ = 	snop;
	(pc) =	sbr.ind lr, $3  }
0x3a: {  	_ = 	snop  }
0x3b: {  	_ = 	snop  }
0x3c: {  	p2 =	seq.s32 s10, $0x1;
	s10 =	sld [smem:$0x3FB9]  }
0x3d: {  	_ =	shalt  }
0x3e: {  	_ =	shalt  }
0x3f: {  	_ =	shalt  }
0x40: {  	_ =	shalt  }
0x41: {  	_ =	shalt  }
0x42: {  	_ =	shalt  }
0x43: {  	_ =	shalt  }
0x44: {  	_ =	shalt  }
0x45: {  	_ =	shalt  }
0x46: {  	_ =	shalt  }
0x47: {  	_ =	shalt  }
0x48: {  	_ =	shalt  }
0x49: {  	_ =	shalt  }
0x4a: {  	_ =	shalt  }
0x4b: {  	_ =	shalt  }
0x4c: {  	_ =	shalt  }
0x4d: {  	_ =	shalt  }
0x4e: {  	_ =	shalt  }
0x4f: {  	_ =	shalt  }
0x50: {  	_ =	shalt  }
0x51: {  	_ =	shalt  }
0x52: {  	_ =	shalt  }
0x53: {  	_ =	shalt  }
0x54: {  	_ =	shalt  }
0x55: {  	_ =	shalt  }
0x56: {  	_ =	shalt  }
0x57: {  	_ =	shalt  }
0x58: {  	_ =	shalt  }
0x59: {  	_ =	shalt  }
0x5a: {  	_ =	shalt  }
0x5b: {  	_ =	shalt  }
0x5c: {  	_ =	shalt  }
0x5d: {  	_ =	shalt  }
0x5e: {  	_ =	shalt  }
0x5f: {  	_ =	shalt  }
0x60: {  	_ =	shalt  }
0x61: {  	_ =	shalt  }
0x62: {  	_ =	shalt  }
0x63: {  	_ =	shalt  }
0x64: {  	_ =	shalt  }
0x65: {  	_ =	shalt  }
0x66: {  	_ =	shalt  }
0x67: {  	_ =	shalt  }
0x68: {  	_ =	shalt  }
0x69: {  	_ =	shalt  }
0x6a: {  	_ =	shalt  }
0x6b: {  	_ =	shalt  }
0x6c: {  	_ =	shalt  }
0x6d: {  	_ =	shalt  }
0x6e: {  	_ =	shalt  }
0x6f: {  	_ =	shalt  }
0x70: {  	_ =	shalt  }
0x71: {  	_ =	shalt  }
0x72: {  	_ =	shalt  }
0x73: {  	_ =	shalt  }
0x74: {  	_ =	shalt  }
0x75: {  	_ =	shalt  }
0x76: {  	_ =	shalt  }
0x77: {  	_ =	shalt  }
0x78: {  	_ =	shalt  }
0x79: {  	_ =	shalt  }
0x7a: {  	_ =	shalt  }
0x7b: {  	_ =	shalt  }
0x7c: {  	_ =	shalt  }
0x7d: {  	_ =	shalt  }
0x7e: {  	_ =	shalt  }
0x7f: {  	_ =	shalt  }
0x80: {  	_ =	shalt  }
0x81: {  	_ =	shalt  }
0x82: {  	_ =	shalt  }
0x83: {  	_ =	shalt  }
0x84: {  	_ =	shalt  }
0x85: {  	_ =	shalt  }
0x86: {  	_ =	shalt  }
0x87: {  	_ =	shalt  }
.Lfunc_end0:
.L_simem_size_0:
called_computation_lowered:
.L_overlay_start_0:
0x88: {  	s2 =	sld [smem:$0x3FD9]  }
0x89: {  	s3 =	sld [smem:$0x3FFE];
	_ =	sdelay $0x1  }
0x8a: {  	s1 =	srdreg.scid  }
0x8b: {  	s0 =	sand.u32 $0x1, s1  }
0x8c: {  	s17 =	sshll.u32 s0, $0xA;
	s2 =	sadd.s32 s3, s2  }
0x8d: {  	s2 =	sadd.s32 s2, s17  }
0x8e: {  	[smem:$0x3FC5] =	sst s2  }
0x8f: {  	_ = 	snop  }
0x90: {  	s2 =	sld [smem:$0x3FD0];
	(tm) =	ssettm $0x1  }
0x91: {  	s18 =	sld [smem:$0x3FFB];
	_ =	sdelay $0x3  }
0x92: {  	_ =	strace s18  }
0x93: {  	s3 =	sld [smem:$0x3FFC];
	_ =	sdelay $0x3  }
0x94: {  	_ =	strace s3  }
0x95: {  	s3 =	sld [smem:$0x3FFD];
	_ =	sdelay $0x3  }
0x96: {  	_ =	strace s3  }
0x97: {  	_ =	strace $0x8FFFFFFF  }
0x98: {  	s19 =	sld [smem:$0x3FDB];
	_ =	sdelay $0x1  }
0x99: {  	s4 =	simm.s32 $_scs_section_size  }
0x9a: {  	s5 =	simm.s32 $_size__tile_overlayer_lowered;
	s6 =	simm.s32 $_tile_overlayer_lowered  }
0x9b: {  	s22 =	simm.s32 $0x1BFF;
	s21 =	sshll.u32 s6, $0x1;
	s3 =	sadd.s32 s4, s19  }
0x9c: {  	s7 =	simm.s32 $0x0;
	s20 =	sshll.u32 s5, $0x1;
	s5 =	sadd.s32 s21, s3  }
0x9d: {  	[timem:s7], [sflag:s22] =	dma.local [hbm:s5], s20  }
0x9e: {  	_ =	swait.ge [sflag:s22], s20  }
0x9f: {  	s4 =	ssub.s32 $0x0, s20;
	[sflag:s22] =	ssyncset.done $0x0  }
0xa0: {  	[sflag:s22] =	ssyncadd.s32 s4;
	_ =	sdelay $0x1  }
0xa1: {  	s23 =	simm.s32 $0x1B8B  }
0xa2: {  	_ =	swait.ge [sflag:s23], $0x1  }
0xa3: {  	[sflag:s23] =	ssyncset.done $0x0  }
0xa4: {  	s25 =	simm.s32 $0x1B8E;
	s24 =	sld [smem:$0x3FFE];
	[sflag:s23] =	ssyncadd.s32 $0xFFFFFFFF  }
0xa5: {  	s26 =	simm.s32 $execute0_lowered;
	[smem:$0x3FD2] =	sst s25  }
0xa6: {  	s5 =	sshll.u32 s26, $0x1;
	_ =	strace $0x80000046;
	[dreg:$0x1] =	wrdreg $0xFFFFFFFF  }
0xa7: {  	s28 =	simm.s32 $_size_execute0_lowered;
	s3 =	sadd.s32 s3, s5;
	[dreg:$0x0] =	wrdreg $0x0  }
0xa8: {  	s5 =	sshll.u32 s28, $0x1;
	[dreg:$0x2] =	wrdreg s3  }
0xa9: {  	[dreg:$0x3] =	wrdreg s5  }
0xaa: {  	[dreg:$0x4] =	wrdreg $0xC0  }
0xab: {  	_ =	task [dreg:s7], $0x5FFFF  }
0xac: {  	[dreg:$0x1] =	wrdreg $0xFFFFFFFF  }
0xad: {  	[dreg:$0x0] =	wrdreg $0x60  }
0xae: {  	[dreg:$0x2] =	wrdreg s24  }
0xaf: {  	[dreg:$0x3] =	wrdreg s2  }
0xb0: {  	[dreg:$0x4] =	wrdreg $0x9  }
0xb1: {  	_ =	task.clear_ibuf [dreg:s7], $0x5FFFF;
	_ =	strace $0x90000046  }
0xb2: {  	s29 =	simm.s32 $0x9;
	_ =	strace $0x80000048  }
0xb3: {  	_ =	swait.ge [sflag:s29], $0x1  }
0xb4: {  	[sflag:s29] =	ssyncadd.s32 $0xFFFFFFFF  }
0xb5: {  	_ =	strace $0x90000048  }
0xb6: {  	_ =	sfence  }
0xb7: {  	s30 =	sld [smem:$0x0];
	_ =	sdelay $0x2  }
0xb8: {  	s31 =	sshll.u32 s1, $0xD;
	s1 =	sshrl.u32 s1, $0x2  }
0xb9: {  	s3 =	sand.u32 $0x4000, s31;
	s1 =	sadd.s32 s1, s30  }
0xba: {  	s0 =	sor.u32 s3, s0;
	s1 =	sshll.u32 s1, $0x11  }
0xbb: {  	s0 =	sor.u32 s1, s0  }
0xbc: {  	s0 =	sadd.s32 $0x8F2B, s0  }
0xbd: {  	[sflag:s0] =	ssyncadd.remote.s32 $0x1  }
0xbe: {  	_ =	sfence.sel $0xFFFF  }
0xbf: {  	[dreg:$0x0] =	wrdreg $0xFFFFFFFF;
	(pc) =	sbr.abs _section_cstart, $3  }
0xc0: {  	[dreg:$0x1] =	wrdreg $0xFFFFFFFF  }
0xc1: {  	_ =	task.clear_ibuf [dreg:s7], $0x2FFFF;
	_ =	strace $0x9FFFFFFF  }
0xc2: {  	(tm) =	ssettm $0x7FFFFFFF  }
0xc3: {  	_ =	shalt  }
tec
execute0_lowered:
.L_overlay_start_1:
0x0: {  	(tag) =	ssettag $0x1  }
0x1: {  	s0 =	rddreg [dreg:$0x0]  }
0x2: {  	s1 =	rddreg [dreg:$0x1];
	s2 =	simm.s32 $0x0  }
0x3: {  	s3 =	srdreg.scid;
	s5 =	stileid.u32;
	s10 =	simm.s32 $0x3  }
0x4: {  	s16 =	simm.s32 $0x6300;
	s17 =	simm.s32 $0x6B00;
	s18 =	simm.s32 $0x7300  }
0x5: {  	s19 =	simm.s32 $0x7B00;
	s20 =	simm.s32 $0x300;
	s21 =	simm.s32 $0xB00  }
0x6: {  	s22 =	simm.s32 $0x1300;
	s23 =	simm.s32 $0x1B00;
	s28 =	simm.s32 $0x3B00  }
0x7: {  	s29 =	simm.s32 $0x2;
	s30 =	simm.s32 $0x1;
	s31 =	simm.s32 $0x8300  }
0x8: {  	[smem:$0x7FF] =	sst s2;
	s4 =	sand.u32 $0x1, s3;
	s5 =	sshll.u32 s5, $0x1  }
0x9: {  	s3 =	sadd.s32 $0xC00, s0;
	_ =	strace $0x80000047;
	s8 =	sor.u32 s4, s5  }
0xa: {  	s4 =	ssub.s32 $0x2, s4;
	s5 =	sshll.u32 s8, $0x6;
	s6 =	sshll.u32 s8, $0x2  }
0xb: {  	s25 =	sshrl.u32 s4, $0x1;
	s26 =	sshll.u32 s8, $0xB;
	s7 =	sadd.s32 s5, s0  }
0xc: {  	s24 =	sadd.s32 s6, s0;
	s9 =	ssub.s32 s4, s25;
	s6 =	sadd.s32 $0xD00, s0  }
0xd: {  	v2 =	vlaneseq.u32;
	s8 =	sadd.s32 s1, s26;
	s25 =	simm.s32 $0x2B00;
	s26 =	simm.s32 $0x3300  }
0xe: {  	vm0 =	vmmov $0xffff;
	v1 =	vshrl.u32 v2, $0x3;
	s0 =	simm.s32 $0x0;
	s4 =	sadd.s32 $0x100C00, s24;
	s5 =	sadd.s32 $0x100E00, s24  }
0xf: {  	v0 =	vand.u32 $0x7, v2;
	v2 =	vor.u32 $0x8, v2;
	v1 =	vmul.u32 $0x8, v1;
	s7 =	sadd.s32 $0x101000, s7;
	s9 =	smax.u32 s9, $0x1;
	s24 =	simm.s32 $0x2300  }
.LBB2_1:
0x10: {  	[tilespmem:s2], [sflag:$0x3] =	stream.linear.gather [hbm4b:s4+s2], $0x20, $0x38;
	[tilespmem:$0xC300] =	vst v63  }
0x11: {  	_ =	swait.ge [sflag:s10], $0x20  }
0x12: {  	[sflag:s10] =	ssyncset.done $0x0  }
0x13: {  	s1 =	simm.s32 $0x80;
	[sflag:s10] =	ssyncadd.s32 $0xFFFFFFE0  }
0x14: {  	[tilespmem:s1], [sflag:$0x3] =	stream.linear.gather [hbm4b:s5+s2], $0x20, $0x38;
	[tilespmem:$0xC300] =	vst v63  }
0x15: {  	_ =	swait.ge [sflag:s10], $0x20  }
0x16: {  	[sflag:s10] =	ssyncset.done $0x0  }
0x17: {  	[sflag:s10] =	ssyncadd.s32 $0xFFFFFFE0  }
0x18: {  	v3 =	vld [tilespmem:$0x80];
	_ =	sdelay $0x4  }
0x19: {  	v4 =	vshll.u32 v3, $0x2  }
0x1a: {  	v3 =	vand.u32 $0x7, v3;
	v4 =	vand.u32 $0xFFFFFFE0, v4  }
0x1b: {  	v3 =	vor.u32 v3, v4  }
0x1c: {  	v4 =	vperm.xlane v3, v0;
	_ =	sdelay $0x1  }
0x1d: {  	v4 =	vadd.s32 v1, v4;
	_ =	sdelay $0x1  }
0x1e: {  	v3 =	vperm.xlane v3, v2;
	_ =	sdelay $0x1  }
0x1f: {  	s15 =	simm.s32 $0x4300;
	v3 =	vadd.s32 v1, v3  }
0x20: {  	[tilespmem:s15], [sflag:$0x2] =	stream.indirect_vreg.gather [hbm4b:s3+s2], $0x80, v4, vm0, $0xb8;
	[tilespmem:$0xC300] =	vst v63  }
0x21: {  	s11 =	simm.s32 $0x4B00  }
0x22: {  	[tilespmem:s11], [sflag:$0x2] =	stream.indirect_vreg.gather [hbm4b:s6+s2], $0x80, v4, vm0, $0xb8;
	[tilespmem:$0xC300] =	vst v63  }
0x23: {  	s12 =	simm.s32 $0x5300  }
0x24: {  	[tilespmem:s12], [sflag:$0x2] =	stream.indirect_vreg.gather [hbm4b:s3+s2], $0x80, v3, vm0, $0xb8;
	[tilespmem:$0xC300] =	vst v63  }
0x25: {  	s13 =	simm.s32 $0x5B00  }
0x26: {  	[tilespmem:s13], [sflag:$0x2] =	stream.indirect_vreg.gather [hbm4b:s6+s2], $0x80, v3, vm0, $0xb8;
	[tilespmem:$0xC300] =	vst v63  }
0x27: {  	v3 =	vld [tilespmem:$0x90];
	_ =	sdelay $0x4  }
0x28: {  	v4 =	vshll.u32 v3, $0x2  }
0x29: {  	v3 =	vand.u32 $0x7, v3;
	v4 =	vand.u32 $0xFFFFFFE0, v4  }
0x2a: {  	v3 =	vor.u32 v3, v4  }
0x2b: {  	v4 =	vperm.xlane v3, v0;
	_ =	sdelay $0x1  }
0x2c: {  	v4 =	vadd.s32 v1, v4;
	_ =	sdelay $0x1  }
0x2d: {  	v3 =	vperm.xlane v3, v2;
	_ =	sdelay $0x1  }
0x2e: {  	v3 =	vadd.s32 v1, v3  }
0x2f: {  	[tilespmem:s16], [sflag:$0x2] =	stream.indirect_vreg.gather [hbm4b:s3+s2], $0x80, v4, vm0, $0xb8;
	[tilespmem:$0xC300] =	vst v63  }
0x30: {  	_ = 	snop  }
0x31: {  	[tilespmem:s17], [sflag:$0x2] =	stream.indirect_vreg.gather [hbm4b:s6+s2], $0x80, v4, vm0, $0xb8;
	[tilespmem:$0xC300] =	vst v63  }
0x32: {  	_ = 	snop  }
0x33: {  	[tilespmem:s18], [sflag:$0x2] =	stream.indirect_vreg.gather [hbm4b:s3+s2], $0x80, v3, vm0, $0xb8;
	[tilespmem:$0xC300] =	vst v63  }
0x34: {  	_ = 	snop  }
0x35: {  	[tilespmem:s19], [sflag:$0x2] =	stream.indirect_vreg.gather [hbm4b:s6+s2], $0x80, v3, vm0, $0xb8;
	[tilespmem:$0xC300] =	vst v63  }
0x36: {  	v3 =	vld [tilespmem:$0x0];
	_ =	sdelay $0x4  }
0x37: {  	v4 =	vshll.u32 v3, $0x2  }
0x38: {  	v3 =	vand.u32 $0x7, v3;
	v4 =	vand.u32 $0xFFFFFFE0, v4  }
0x39: {  	v3 =	vor.u32 v3, v4  }
0x3a: {  	v4 =	vperm.xlane v3, v0;
	_ =	sdelay $0x1  }
0x3b: {  	v4 =	vadd.s32 v1, v4;
	_ =	sdelay $0x1  }
0x3c: {  	v3 =	vperm.xlane v3, v2;
	_ =	sdelay $0x1  }
0x3d: {  	v3 =	vadd.s32 v1, v3  }
0x3e: {  	[tilespmem:s20], [sflag:$0x1] =	stream.indirect_vreg.gather [hbm4b:s3+s2], $0x80, v4, vm0, $0xb8;
	[tilespmem:$0xC300] =	vst v63  }
0x3f: {  	_ = 	snop  }
0x40: {  	[tilespmem:s21], [sflag:$0x1] =	stream.indirect_vreg.gather [hbm4b:s6+s2], $0x80, v4, vm0, $0xb8;
	[tilespmem:$0xC300] =	vst v63  }
0x41: {  	_ = 	snop  }
0x42: {  	[tilespmem:s22], [sflag:$0x1] =	stream.indirect_vreg.gather [hbm4b:s3+s2], $0x80, v3, vm0, $0xb8;
	[tilespmem:$0xC300] =	vst v63  }
0x43: {  	_ = 	snop  }
0x44: {  	[tilespmem:s23], [sflag:$0x1] =	stream.indirect_vreg.gather [hbm4b:s6+s2], $0x80, v3, vm0, $0xb8;
	[tilespmem:$0xC300] =	vst v63  }
0x45: {  	v3 =	vld [tilespmem:$0x10];
	_ =	sdelay $0x4  }
0x46: {  	v4 =	vshll.u32 v3, $0x2  }
0x47: {  	v3 =	vand.u32 $0x7, v3;
	v4 =	vand.u32 $0xFFFFFFE0, v4  }
0x48: {  	v3 =	vor.u32 v3, v4  }
0x49: {  	v4 =	vperm.xlane v3, v0;
	_ =	sdelay $0x1  }
0x4a: {  	v4 =	vadd.s32 v1, v4;
	_ =	sdelay $0x1  }
0x4b: {  	v3 =	vperm.xlane v3, v2;
	_ =	sdelay $0x1  }
0x4c: {  	v3 =	vadd.s32 v1, v3  }
0x4d: {  	[tilespmem:s24], [sflag:$0x1] =	stream.indirect_vreg.gather [hbm4b:s3+s2], $0x80, v4, vm0, $0xb8;
	[tilespmem:$0xC300] =	vst v63  }
0x4e: {  	_ = 	snop  }
0x4f: {  	[tilespmem:s25], [sflag:$0x1] =	stream.indirect_vreg.gather [hbm4b:s6+s2], $0x80, v4, vm0, $0xb8;
	[tilespmem:$0xC300] =	vst v63  }
0x50: {  	_ = 	snop  }
0x51: {  	[tilespmem:s26], [sflag:$0x1] =	stream.indirect_vreg.gather [hbm4b:s3+s2], $0x80, v3, vm0, $0xb8;
	[tilespmem:$0xC300] =	vst v63  }
0x52: {  	_ = 	snop  }
0x53: {  	[tilespmem:s28], [sflag:$0x1] =	stream.indirect_vreg.gather [hbm4b:s6+s2], $0x80, v3, vm0, $0xb8;
	[tilespmem:$0xC300] =	vst v63  }
0x54: {  	s11 =	simm.s32 $0x100  }
0x55: {  	[tilespmem:s11], [sflag:$0x3] =	stream.linear.gather [hbm4b:s7+s2], $0x200, $0x38;
	[tilespmem:$0xC300] =	vst v63  }
0x56: {  	_ =	swait.ge [sflag:s10], $0x200  }
0x57: {  	[sflag:s10] =	ssyncset.done $0x0  }
0x58: {  	[sflag:s10] =	ssyncadd.s32 $0xFFFFFE00  }
0x59: {  	_ =	swait.ge [sflag:s29], $0x4000  }
0x5a: {  	[sflag:s29] =	ssyncset.done $0x0  }
0x5b: {  	[sflag:s29] =	ssyncadd.s32 $0xFFFFC000  }
0x5c: {  	_ =	swait.ge [sflag:s30], $0x4000  }
0x5d: {  	s14 =	sand.u32 $0x3000, s2;
	s12 =	sand.u32 $0x380, s2;
	[sflag:s30] =	ssyncset.done $0x0  }
0x5e: {  	s13 =	sor.u32 s12, s14;
	[sflag:s30] =	ssyncadd.s32 $0xFFFFC000  }
0x5f: {  	v3 =	vld [tilespmem:s13+$0x4300]  }
0x60: {  	v4 =	vld [tilespmem:s13+$0x300]  }
0x61: {  	v5 =	vld [tilespmem:s13+$0x4310]  }
0x62: {  	v6 =	vld [tilespmem:s13+$0x310]  }
0x63: {  	v7 =	vld [tilespmem:s13+$0x4320]  }
0x64: {  	v8 =	vld [tilespmem:s13+$0x320]  }
0x65: {  	v9 =	vld [tilespmem:s13+$0x4330]  }
0x66: {  	v10 =	vld [tilespmem:s13+$0x330]  }
0x67: {  	v11 =	vld [tilespmem:s13+$0x4340]  }
0x68: {  	v12 =	vld [tilespmem:s13+$0x340]  }
0x69: {  	v13 =	vld [tilespmem:s13+$0x4350]  }
0x6a: {  	v14 =	vld [tilespmem:s13+$0x350]  }
0x6b: {  	v15 =	vld [tilespmem:s13+$0x4360]  }
0x6c: {  	v16 =	vld [tilespmem:s13+$0x360]  }
0x6d: {  	v17 =	vld [tilespmem:s13+$0x4370]  }
0x6e: {  	v18 =	vld [tilespmem:s13+$0x370]  }
0x6f: {  	v19 =	vld [tilespmem:s13+$0x4700]  }
0x70: {  	v20 =	vld [tilespmem:s13+$0x700]  }
0x71: {  	v21 =	vld [tilespmem:s13+$0x4710]  }
0x72: {  	v23 =	vld [tilespmem:s13+$0x710]  }
0x73: {  	v24 =	vld [tilespmem:s13+$0x4720]  }
0x74: {  	v25 =	vld [tilespmem:s13+$0x720]  }
0x75: {  	v26 =	vld [tilespmem:s13+$0x4730]  }
0x76: {  	v27 =	vld [tilespmem:s13+$0x730]  }
0x77: {  	v29 =	vld [tilespmem:s13+$0x4740]  }
0x78: {  	v30 =	vld [tilespmem:s13+$0x740]  }
0x79: {  	v31 =	vld [tilespmem:s13+$0x4750]  }
0x7a: {  	v32 =	vld [tilespmem:s13+$0x750]  }
0x7b: {  	v33 =	vld [tilespmem:s13+$0x4760]  }
0x7c: {  	v34 =	vld [tilespmem:s13+$0x760]  }
0x7d: {  	v35 =	vld [tilespmem:s13+$0x4770]  }
0x7e: {  	v22 =	vld [tilespmem:s11+$0x0]  }
0x7f: {  	v36 =	vld [tilespmem:s13+$0x770]  }
0x80: {  	v37 =	vld [tilespmem:s13+$0x4B00]  }
0x81: {  	v38 =	vld [tilespmem:s13+$0xB00]  }
0x82: {  	v39 =	vld [tilespmem:s13+$0x4B10]  }
0x83: {  	v40 =	vld [tilespmem:s13+$0xB10]  }
0x84: {  	v41 =	vld [tilespmem:s13+$0x4B20]  }
0x85: {  	v62 =	vld [tilespmem:s13+$0x4F50]  }
0x86: {  	v63 =	vld [tilespmem:s13+$0xF50];
	v3 =	vsub.f32 v3, v4  }
0x87: {  	v4 =	vsub.f32 v5, v6;
	v6 =	vsub.f32 v9, v10;
	v9 =	vld [tilespmem:s13+$0xB20]  }
0x88: {  	v10 =	vld [tilespmem:s13+$0x4B30]  }
0x89: {  	v5 =	vsub.f32 v7, v8;
	v7 =	vsub.f32 v11, v12;
	v11 =	vld [tilespmem:s13+$0xB30];
	v3 =	vmul.f32 v3, v22  }
0x8a: {  	v12 =	vld [tilespmem:s13+$0x4B40]  }
0x8b: {  	v4 =	vmul.f32 v4, v22;
	[tilespmem:s13+$0x8300] =	vst v3;
	v3 =	vsub.f32 v13, v14;
	v13 =	vld [tilespmem:s13+$0xB40]  }
0x8c: {  	v14 =	vld [tilespmem:s13+$0x4B50]  }
0x8d: {  	v5 =	vmul.f32 v5, v22;
	[tilespmem:s13+$0x8310] =	vst v4;
	v4 =	vsub.f32 v15, v16;
	v15 =	vld [tilespmem:s13+$0xB50]  }
0x8e: {  	v16 =	vld [tilespmem:s13+$0x4B60]  }
0x8f: {  	[tilespmem:s13+$0x8320] =	vst v5;
	v5 =	vsub.f32 v17, v18;
	v17 =	vld [tilespmem:s13+$0xB60];
	v3 =	vmul.f32 v3, v22  }
0x90: {  	v6 =	vmul.f32 v6, v22;
	v18 =	vld [tilespmem:s13+$0x4B70]  }
0x91: {  	v4 =	vmul.f32 v4, v22;
	[tilespmem:s13+$0x8350] =	vst v3;
	v3 =	vsub.f32 v19, v20;
	v19 =	vld [tilespmem:s13+$0xB70]  }
0x92: {  	s15 =	simm.s32 $0x200;
	s12 =	simm.s32 $0x80;
	v7 =	vmul.f32 v7, v22;
	[tilespmem:s13+$0x8330] =	vst v6;
	v20 =	vld [tilespmem:s13+$0x4F00]  }
0x93: {  	s1 =	sand.u32 $0x3000, s15;
	s14 =	sand.u32 $0x380, s12;
	[tilespmem:s13+$0x8360] =	vst v4;
	v4 =	vsub.f32 v21, v23;
	v21 =	vld [tilespmem:s13+$0xF00]  }
0x94: {  	s1 =	sor.u32 s14, s1;
	[tilespmem:s13+$0x8340] =	vst v7;
	v5 =	vmul.f32 v5, v22;
	v23 =	vld [tilespmem:s13+$0x4F10]  }
0x95: {  	v28 =	vld [tilespmem:s1+$0x4300];
	v3 =	vmul.f32 v3, v22  }
0x96: {  	[tilespmem:s13+$0x8370] =	vst v5;
	v5 =	vsub.f32 v24, v25;
	v25 =	vld [tilespmem:s13+$0xF10]  }
0x97: {  	v47 =	vld [tilespmem:s1+$0x300];
	v4 =	vmul.f32 v4, v22;
	[tilespmem:s13+$0x8700] =	vst v3  }
0x98: {  	v16 =	vsub.f32 v16, v17;
	v5 =	vmul.f32 v5, v22;
	v3 =	vsub.f32 v26, v27;
	v48 =	vld [tilespmem:s1+$0x4310]  }
0x99: {  	[tilespmem:s13+$0x8710] =	vst v4;
	v4 =	vsub.f32 v29, v30;
	v17 =	vsub.f32 v20, v21;
	v21 =	vld [tilespmem:s13+$0x4F60]  }
0x9a: {  	v50 =	vld [tilespmem:s1+$0x310];
	v6 =	vmul.f32 v3, v22;
	[tilespmem:s13+$0x8720] =	vst v5;
	v5 =	vsub.f32 v31, v32  }
0x9b: {  	v31 =	vld [tilespmem:s13+$0xF40];
	v7 =	vmul.f32 v4, v22  }
0x9c: {  	v3 =	vld [tilespmem:s1+$0x4320];
	[tilespmem:s13+$0x8730] =	vst v6;
	v6 =	vsub.f32 v33, v34;
	v8 =	vmul.f32 v5, v22  }
0x9d: {  	v4 =	vld [tilespmem:s1+$0x320];
	[tilespmem:s13+$0x8740] =	vst v7  }
0x9e: {  	v7 =	vsub.f32 v35, v36;
	v5 =	vld [tilespmem:s1+$0x4330];
	v24 =	vmul.f32 v6, v22;
	[tilespmem:s13+$0x8750] =	vst v8  }
0x9f: {  	v6 =	vld [tilespmem:s1+$0x330]  }
0xa0: {  	v8 =	vsub.f32 v37, v38;
	v26 =	vmul.f32 v7, v22;
	[tilespmem:s13+$0x8760] =	vst v24;
	v24 =	vld [tilespmem:s13+$0x4F20]  }
0xa1: {  	v7 =	vld [tilespmem:s1+$0x4340]  }
0xa2: {  	v27 =	vsub.f32 v39, v40;
	v29 =	vmul.f32 v8, v22;
	[tilespmem:s13+$0x8770] =	vst v26;
	v26 =	vld [tilespmem:s13+$0xF20]  }
0xa3: {  	v8 =	vld [tilespmem:s1+$0x340]  }
0xa4: {  	v30 =	vsub.f32 v41, v9;
	v27 =	vmul.f32 v27, v22;
	[tilespmem:s13+$0x8B00] =	vst v29;
	v29 =	vld [tilespmem:s13+$0x4F30]  }
0xa5: {  	v11 =	vsub.f32 v10, v11;
	v9 =	vld [tilespmem:s1+$0x4350]  }
0xa6: {  	v30 =	vmul.f32 v30, v22;
	[tilespmem:s13+$0x8B10] =	vst v27;
	v27 =	vld [tilespmem:s13+$0xF30]  }
0xa7: {  	v12 =	vsub.f32 v12, v13;
	v13 =	vmul.f32 v11, v22;
	v10 =	vld [tilespmem:s1+$0x350]  }
0xa8: {  	v14 =	vsub.f32 v14, v15;
	[tilespmem:s13+$0x8B20] =	vst v30;
	v30 =	vld [tilespmem:s13+$0x4F40]  }
0xa9: {  	v15 =	vmul.f32 v12, v22;
	v11 =	vld [tilespmem:s1+$0x4360];
	[tilespmem:s13+$0x8B30] =	vst v13  }
0xaa: {  	v14 =	vmul.f32 v14, v22;
	v12 =	vld [tilespmem:s1+$0x360]  }
0xab: {  	v16 =	vmul.f32 v16, v22;
	[tilespmem:s13+$0x8B40] =	vst v15;
	v15 =	vsub.f32 v18, v19;
	v19 =	vsub.f32 v23, v25;
	v23 =	vld [tilespmem:s13+$0xF60]  }
0xac: {  	v13 =	vld [tilespmem:s1+$0x4370];
	[tilespmem:s13+$0x8B50] =	vst v14  }
0xad: {  	v14 =	vld [tilespmem:s1+$0x370];
	v18 =	vmul.f32 v15, v22;
	[tilespmem:s13+$0x8B60] =	vst v16  }
0xae: {  	v15 =	vld [tilespmem:s1+$0x4700]  }
0xaf: {  	v17 =	vmul.f32 v17, v22;
	[tilespmem:s13+$0x8B70] =	vst v18;
	v18 =	vsub.f32 v24, v26;
	v24 =	vld [tilespmem:s13+$0x4F70]  }
0xb0: {  	v19 =	vmul.f32 v19, v22;
	v26 =	vld [tilespmem:s13+$0xF70]  }
0xb1: {  	v20 =	vsub.f32 v29, v27;
	v16 =	vld [tilespmem:s1+$0x700];
	[tilespmem:s13+$0x8F00] =	vst v17;
	v25 =	vmul.f32 v18, v22  }
0xb2: {  	v27 =	vsub.f32 v30, v31;
	v17 =	vld [tilespmem:s1+$0x4710];
	[tilespmem:s13+$0x8F10] =	vst v19  }
0xb3: {  	v20 =	vmul.f32 v20, v22;
	v18 =	vld [tilespmem:s1+$0x710];
	[tilespmem:s13+$0x8F20] =	vst v25;
	v25 =	vsub.f32 v62, v63  }
0xb4: {  	v27 =	vmul.f32 v27, v22;
	v23 =	vsub.f32 v21, v23  }
0xb5: {  	v19 =	vld [tilespmem:s1+$0x4720];
	[tilespmem:s13+$0x8F30] =	vst v20;
	v24 =	vsub.f32 v24, v26;
	v25 =	vmul.f32 v25, v22  }
0xb6: {  	v23 =	vmul.f32 v23, v22;
	v20 =	vld [tilespmem:s1+$0x720];
	[tilespmem:s13+$0x8F40] =	vst v27  }
0xb7: {  	v21 =	vld [tilespmem:s1+$0x4730];
	v22 =	vmul.f32 v24, v22;
	[tilespmem:s13+$0x8F50] =	vst v25  }
0xb8: {  	v26 =	vld [tilespmem:s1+$0x730];
	[tilespmem:s13+$0x8F60] =	vst v23  }
0xb9: {  	v27 =	vld [tilespmem:s1+$0x4740];
	[tilespmem:s13+$0x8F70] =	vst v22  }
0xba: {  	v35 =	vld [tilespmem:s1+$0x740]  }
0xbb: {  	v31 =	vld [tilespmem:s1+$0x4750]  }
0xbc: {  	v39 =	vld [tilespmem:s1+$0x750]  }
0xbd: {  	v32 =	vld [tilespmem:s1+$0x4760]  }
0xbe: {  	v40 =	vld [tilespmem:s1+$0x760]  }
0xbf: {  	v36 =	vld [tilespmem:s1+$0x4770]  }
0xc0: {  	v43 =	vld [tilespmem:s1+$0x770]  }
0xc1: {  	v37 =	vld [tilespmem:s1+$0x4B00]  }
0xc2: {  	v44 =	vld [tilespmem:s1+$0xB00]  }
0xc3: {  	v42 =	vld [tilespmem:s1+$0x4B10]  }
0xc4: {  	v46 =	vld [tilespmem:s1+$0xB10]  }
0xc5: {  	v38 =	vld [tilespmem:s1+$0x4B20]  }
0xc6: {  	v45 =	vld [tilespmem:s1+$0xB20]  }
0xc7: {  	v33 =	vld [tilespmem:s1+$0x4B30]  }
0xc8: {  	v41 =	vld [tilespmem:s1+$0xB30]  }
0xc9: {  	v29 =	vld [tilespmem:s1+$0x4B40]  }
0xca: {  	v34 =	vld [tilespmem:s1+$0xB40]  }
0xcb: {  	v24 =	vld [tilespmem:s1+$0x4B50]  }
0xcc: {  	v30 =	vld [tilespmem:s1+$0xB50]  }
0xcd: {  	v23 =	vld [tilespmem:s1+$0x4B60]  }
0xce: {  	v25 =	vld [tilespmem:s1+$0xB60]  }
0xcf: {  	v22 =	vld [tilespmem:s1+$0x4B70]  }
0xd0: {  	v49 =	vsub.f32 v28, v47;
	v47 =	vsub.f32 v48, v50;
	s13 =	simm.s32 $0x400;
	v28 =	vld [tilespmem:s1+$0xB70]  }
.LBB2_2:
0xd1: {  	p0 =	sne.s32 s13, $0x3E00;
	v3 =	vsub.f32 v3, v4;
	v4 =	vsub.f32 v5, v6;
	v5 =	vld [tilespmem:s1+$0x4F00]  }
0xd2: {  	v6 =	vsub.f32 v7, v8;
	v7 =	vsub.f32 v9, v10;
	v8 =	vld [tilespmem:s1+$0xF00]  }
0xd3: {  	v9 =	vsub.f32 v11, v12;
	v10 =	vsub.f32 v13, v14;
	s11 =	sadd.s32 $0x10, s11;
	v11 =	vld [tilespmem:s1+$0x4F10]  }
0xd4: {  	v13 =	vsub.f32 v15, v16;
	v14 =	vsub.f32 v17, v18;
	v12 =	vld [tilespmem:s11+$0x0]  }
0xd5: {  	v15 =	vsub.f32 v19, v20;
	v16 =	vsub.f32 v21, v26;
	v17 =	vld [tilespmem:s1+$0xF10]  }
0xd6: {  	v18 =	vsub.f32 v27, v35;
	v19 =	vsub.f32 v31, v39;
	v20 =	vld [tilespmem:s1+$0x4F20]  }
0xd7: {  	v21 =	vsub.f32 v32, v40;
	v26 =	vsub.f32 v36, v43;
	v27 =	vld [tilespmem:s1+$0xF20]  }
0xd8: {  	v31 =	vsub.f32 v37, v44;
	v32 =	vsub.f32 v42, v46;
	v35 =	vld [tilespmem:s1+$0x4F30]  }
0xd9: {  	v38 =	vsub.f32 v38, v45;
	v36 =	vmul.f32 v49, v12;
	v37 =	vmul.f32 v47, v12;
	v39 =	vld [tilespmem:s1+$0xF30]  }
0xda: {  	v33 =	vsub.f32 v33, v41;
	v3 =	vmul.f32 v3, v12;
	v4 =	vmul.f32 v4, v12;
	v40 =	vld [tilespmem:s1+$0x4F40]  }
0xdb: {  	v29 =	vsub.f32 v29, v34;
	v6 =	vmul.f32 v6, v12;
	v7 =	vmul.f32 v7, v12;
	[tilespmem:s1+$0x8300] =	vst v36;
	v34 =	vld [tilespmem:s1+$0xF40]  }
0xdc: {  	v24 =	vsub.f32 v24, v30;
	v9 =	vmul.f32 v9, v12;
	v10 =	vmul.f32 v10, v12;
	[tilespmem:s1+$0x8310] =	vst v37;
	v30 =	vld [tilespmem:s1+$0x4F50]  }
0xdd: {  	[tilespmem:s1+$0x8320] =	vst v3;
	v3 =	vmul.f32 v13, v12;
	v13 =	vmul.f32 v14, v12;
	v14 =	vsub.f32 v23, v25;
	v23 =	vld [tilespmem:s1+$0xF50]  }
0xde: {  	[tilespmem:s1+$0x8330] =	vst v4;
	v4 =	vmul.f32 v15, v12;
	v15 =	vmul.f32 v16, v12;
	v16 =	vsub.f32 v22, v28;
	v22 =	vld [tilespmem:s1+$0x4F60]  }
0xdf: {  	s12 =	sadd.s32 $0x80, s12;
	v5 =	vsub.f32 v5, v8;
	[tilespmem:s1+$0x8340] =	vst v6;
	v6 =	vmul.f32 v18, v12;
	v18 =	vmul.f32 v19, v12;
	v8 =	vld [tilespmem:s1+$0xF60]  }
0xe0: {  	s14 =	sand.u32 $0x3000, s13;
	s15 =	sand.u32 $0x380, s12;
	v11 =	vsub.f32 v11, v17;
	v19 =	vmul.f32 v26, v12;
	[tilespmem:s1+$0x8350] =	vst v7;
	v7 =	vmul.f32 v21, v12;
	v17 =	vld [tilespmem:s1+$0x4F70]  }
0xe1: {  	s14 =	sor.u32 s15, s14;
	v20 =	vsub.f32 v20, v27;
	v21 =	vmul.f32 v32, v12;
	[tilespmem:s1+$0x8360] =	vst v9;
	v9 =	vmul.f32 v31, v12;
	v25 =	vld [tilespmem:s1+$0xF70]  }
0xe2: {  	v27 =	vmul.f32 v33, v12;
	v26 =	vmul.f32 v38, v12;
	v28 =	vld [tilespmem:s14+$0x4300];
	[tilespmem:s1+$0x8370] =	vst v10;
	v10 =	vsub.f32 v35, v39  }
0xe3: {  	v29 =	vmul.f32 v29, v12;
	v24 =	vmul.f32 v24, v12;
	v31 =	vsub.f32 v40, v34;
	v47 =	vld [tilespmem:s14+$0x300];
	[tilespmem:s1+$0x8700] =	vst v3  }
0xe4: {  	v32 =	vmul.f32 v14, v12;
	v16 =	vmul.f32 v16, v12;
	v48 =	vld [tilespmem:s14+$0x4310];
	[tilespmem:s1+$0x8710] =	vst v13;
	v13 =	vsub.f32 v30, v23  }
0xe5: {  	v23 =	vmul.f32 v5, v12;
	v30 =	vmul.f32 v11, v12;
	v8 =	vsub.f32 v22, v8;
	v50 =	vld [tilespmem:s14+$0x310];
	[tilespmem:s1+$0x8720] =	vst v4  }
0xe6: {  	v20 =	vmul.f32 v20, v12;
	v22 =	vmul.f32 v10, v12;
	v3 =	vld [tilespmem:s14+$0x4320];
	[tilespmem:s1+$0x8730] =	vst v15;
	v10 =	vsub.f32 v17, v25  }
0xe7: {  	v25 =	vmul.f32 v31, v12;
	v31 =	vmul.f32 v13, v12;
	v4 =	vld [tilespmem:s14+$0x320];
	[tilespmem:s1+$0x8740] =	vst v6  }
0xe8: {  	v33 =	vmul.f32 v8, v12;
	v5 =	vld [tilespmem:s14+$0x4330];
	[tilespmem:s1+$0x8750] =	vst v18;
	v34 =	vmul.f32 v10, v12  }
0xe9: {  	v6 =	vld [tilespmem:s14+$0x330];
	[tilespmem:s1+$0x8760] =	vst v7  }
0xea: {  	v7 =	vld [tilespmem:s14+$0x4340];
	[tilespmem:s1+$0x8770] =	vst v19  }
0xeb: {  	v8 =	vld [tilespmem:s14+$0x340];
	[tilespmem:s1+$0x8B00] =	vst v9  }
0xec: {  	v9 =	vld [tilespmem:s14+$0x4350];
	[tilespmem:s1+$0x8B10] =	vst v21  }
0xed: {  	v10 =	vld [tilespmem:s14+$0x350];
	[tilespmem:s1+$0x8B20] =	vst v26  }
0xee: {  	v11 =	vld [tilespmem:s14+$0x4360];
	[tilespmem:s1+$0x8B30] =	vst v27  }
0xef: {  	v12 =	vld [tilespmem:s14+$0x360];
	[tilespmem:s1+$0x8B40] =	vst v29  }
0xf0: {  	v13 =	vld [tilespmem:s14+$0x4370];
	[tilespmem:s1+$0x8B50] =	vst v24  }
0xf1: {  	v14 =	vld [tilespmem:s14+$0x370];
	[tilespmem:s1+$0x8B60] =	vst v32  }
0xf2: {  	v15 =	vld [tilespmem:s14+$0x4700];
	[tilespmem:s1+$0x8B70] =	vst v16  }
0xf3: {  	v16 =	vld [tilespmem:s14+$0x700];
	[tilespmem:s1+$0x8F00] =	vst v23  }
0xf4: {  	v17 =	vld [tilespmem:s14+$0x4710];
	[tilespmem:s1+$0x8F10] =	vst v30  }
0xf5: {  	v18 =	vld [tilespmem:s14+$0x710];
	[tilespmem:s1+$0x8F20] =	vst v20  }
0xf6: {  	v19 =	vld [tilespmem:s14+$0x4720];
	[tilespmem:s1+$0x8F30] =	vst v22  }
0xf7: {  	v20 =	vld [tilespmem:s14+$0x720];
	[tilespmem:s1+$0x8F40] =	vst v25  }
0xf8: {  	v21 =	vld [tilespmem:s14+$0x4730];
	[tilespmem:s1+$0x8F50] =	vst v31  }
0xf9: {  	v26 =	vld [tilespmem:s14+$0x730];
	[tilespmem:s1+$0x8F60] =	vst v33  }
0xfa: {  	v27 =	vld [tilespmem:s14+$0x4740];
	[tilespmem:s1+$0x8F70] =	vst v34;
	s1 =	smov.u32 s14  }
0xfb: {  	v35 =	vld [tilespmem:s1+$0x740]  }
0xfc: {  	v31 =	vld [tilespmem:s1+$0x4750]  }
0xfd: {  	v39 =	vld [tilespmem:s1+$0x750]  }
0xfe: {  	v32 =	vld [tilespmem:s1+$0x4760]  }
0xff: {  	v40 =	vld [tilespmem:s1+$0x760]  }
0x100: {  	v36 =	vld [tilespmem:s1+$0x4770]  }
0x101: {  	v43 =	vld [tilespmem:s1+$0x770]  }
0x102: {  	v37 =	vld [tilespmem:s1+$0x4B00]  }
0x103: {  	v44 =	vld [tilespmem:s1+$0xB00]  }
0x104: {  	v42 =	vld [tilespmem:s1+$0x4B10]  }
0x105: {  	v46 =	vld [tilespmem:s1+$0xB10]  }
0x106: {  	v38 =	vld [tilespmem:s1+$0x4B20]  }
0x107: {  	v45 =	vld [tilespmem:s1+$0xB20]  }
0x108: {  	v33 =	vld [tilespmem:s1+$0x4B30]  }
0x109: {  	v41 =	vld [tilespmem:s1+$0xB30]  }
0x10a: {  	v29 =	vld [tilespmem:s1+$0x4B40]  }
0x10b: {  	v34 =	vld [tilespmem:s1+$0xB40]  }
0x10c: {  	v24 =	vld [tilespmem:s1+$0x4B50]  }
.Ltmp0:
0x10d: {  	v30 =	vld [tilespmem:s1+$0xB50];
	(pc) =	sbr.rel @p0 .LBB2_2-.Ltmp0, $4  }
0x10e: {  	v23 =	vld [tilespmem:s1+$0x4B60]  }
0x10f: {  	v25 =	vld [tilespmem:s1+$0xB60]  }
0x110: {  	v22 =	vld [tilespmem:s1+$0x4B70]  }
0x111: {  	s13 =	sadd.s32 $0x200, s13;
	v49 =	vsub.f32 v28, v47;
	v47 =	vsub.f32 v48, v50;
	v28 =	vld [tilespmem:s1+$0xB70]  }
0x112: {  	s11 =	sadd.s32 $0x10, s11  }
0x113: {  	v52 =	vld [tilespmem:s11+$0x0];
	_ =	sdelay $0x4  }
0x114: {  	v3 =	vsub.f32 v3, v4;
	v49 =	vmul.f32 v49, v52  }
0x115: {  	v5 =	vsub.f32 v5, v6;
	v63 =	vmul.f32 v47, v52  }
0x116: {  	v59 =	vsub.f32 v7, v8;
	v3 =	vmul.f32 v3, v52;
	[tilespmem:s1+$0x8300] =	vst v49  }
0x117: {  	v60 =	vsub.f32 v9, v10;
	v5 =	vmul.f32 v5, v52;
	[tilespmem:s1+$0x8310] =	vst v63  }
0x118: {  	v56 =	vld [tilespmem:s1+$0x4F30];
	v62 =	vsub.f32 v11, v12;
	v6 =	vmul.f32 v59, v52;
	[tilespmem:s1+$0x8320] =	vst v3  }
0x119: {  	v57 =	vld [tilespmem:s1+$0xF30];
	v13 =	vsub.f32 v13, v14;
	v7 =	vmul.f32 v60, v52;
	[tilespmem:s1+$0x8330] =	vst v5  }
0x11a: {  	v15 =	vsub.f32 v15, v16;
	v14 =	vmul.f32 v62, v52;
	[tilespmem:s1+$0x8340] =	vst v6  }
0x11b: {  	v17 =	vsub.f32 v17, v18;
	v18 =	vmul.f32 v13, v52;
	[tilespmem:s1+$0x8350] =	vst v7  }
0x11c: {  	v19 =	vsub.f32 v19, v20;
	v8 =	vmul.f32 v15, v52;
	[tilespmem:s1+$0x8360] =	vst v14  }
0x11d: {  	v26 =	vsub.f32 v21, v26;
	v11 =	vmul.f32 v17, v52;
	[tilespmem:s1+$0x8370] =	vst v18  }
0x11e: {  	v57 =	vsub.f32 v56, v57;
	v9 =	vmul.f32 v19, v52;
	[tilespmem:s1+$0x8700] =	vst v8  }
0x11f: {  	v48 =	vld [tilespmem:s1+$0x4F00];
	v27 =	vsub.f32 v27, v35;
	v13 =	vmul.f32 v26, v52;
	[tilespmem:s1+$0x8710] =	vst v11  }
0x120: {  	v50 =	vld [tilespmem:s1+$0xF00];
	v31 =	vsub.f32 v31, v39;
	v59 =	vmul.f32 v57, v52;
	[tilespmem:s1+$0x8720] =	vst v9  }
0x121: {  	v51 =	vld [tilespmem:s1+$0x4F10];
	v35 =	vsub.f32 v32, v40;
	v7 =	vmul.f32 v27, v52;
	[tilespmem:s1+$0x8730] =	vst v13  }
0x122: {  	v53 =	vld [tilespmem:s1+$0xF10];
	v36 =	vsub.f32 v36, v43;
	v8 =	vmul.f32 v31, v52;
	[tilespmem:s1+$0x8F30] =	vst v59  }
0x123: {  	v54 =	vld [tilespmem:s1+$0x4F20];
	v39 =	vsub.f32 v37, v44;
	v11 =	vmul.f32 v35, v52;
	[tilespmem:s1+$0x8740] =	vst v7  }
0x124: {  	v55 =	vld [tilespmem:s1+$0xF20];
	v40 =	vsub.f32 v42, v46;
	v9 =	vmul.f32 v36, v52;
	[tilespmem:s1+$0x8750] =	vst v8  }
0x125: {  	v58 =	vld [tilespmem:s1+$0x4F40];
	v42 =	vsub.f32 v38, v45;
	v13 =	vmul.f32 v39, v52;
	[tilespmem:s1+$0x8760] =	vst v11  }
0x126: {  	v4 =	vld [tilespmem:s1+$0x4F50];
	v43 =	vsub.f32 v33, v41;
	v7 =	vmul.f32 v40, v52;
	[tilespmem:s1+$0x8770] =	vst v9  }
0x127: {  	v61 =	vld [tilespmem:s1+$0x4F60];
	v44 =	vsub.f32 v29, v34;
	v8 =	vmul.f32 v42, v52;
	[tilespmem:s1+$0x8B00] =	vst v13  }
0x128: {  	v16 =	vld [tilespmem:s1+$0x4F70];
	v45 =	vsub.f32 v24, v30;
	v11 =	vmul.f32 v43, v52;
	[tilespmem:s1+$0x8B10] =	vst v7  }
0x129: {  	v46 =	vsub.f32 v23, v25;
	v47 =	vld [tilespmem:s1+$0xF40];
	v9 =	vmul.f32 v44, v52;
	[tilespmem:s1+$0x8B20] =	vst v8  }
0x12a: {  	v3 =	vld [tilespmem:s1+$0xF50];
	v49 =	vsub.f32 v22, v28;
	v13 =	vmul.f32 v45, v52;
	[tilespmem:s1+$0x8B30] =	vst v11  }
0x12b: {  	v50 =	vsub.f32 v48, v50;
	v63 =	vld [tilespmem:s1+$0xF60];
	v7 =	vmul.f32 v46, v52;
	[tilespmem:s1+$0x8B40] =	vst v9  }
0x12c: {  	v20 =	vld [tilespmem:s1+$0xF70];
	v53 =	vsub.f32 v51, v53;
	v8 =	vmul.f32 v49, v52;
	[tilespmem:s1+$0x8B50] =	vst v13  }
0x12d: {  	v55 =	vsub.f32 v54, v55;
	v11 =	vmul.f32 v50, v52;
	[tilespmem:s1+$0x8B60] =	vst v7  }
0x12e: {  	v58 =	vsub.f32 v58, v47;
	v9 =	vmul.f32 v53, v52;
	[tilespmem:s1+$0x8B70] =	vst v8  }
0x12f: {  	v13 =	vmul.f32 v55, v52;
	v3 =	vsub.f32 v4, v3;
	[tilespmem:s1+$0x8F00] =	vst v11  }
0x130: {  	v5 =	vsub.f32 v61, v63;
	v60 =	vmul.f32 v58, v52;
	[tilespmem:s1+$0x8F10] =	vst v9  }
0x131: {  	v61 =	vsub.f32 v16, v20;
	[tilespmem:s1+$0x8F20] =	vst v13;
	v3 =	vmul.f32 v3, v52  }
0x132: {  	v62 =	vmul.f32 v5, v52;
	[tilespmem:s1+$0x8F40] =	vst v60  }
0x133: {  	s0 =	sadd.s32 $0x1, s0;
	v63 =	vmul.f32 v61, v52;
	[tilespmem:s1+$0x8F50] =	vst v3  }
0x134: {  	p0 =	sne.s32 s0, s9;
	[tilespmem:s1+$0x8F60] =	vst v62  }
.Ltmp1:
0x135: {  	[tilespmem:s1+$0x8F70] =	vst v63;
	(pc) =	sbr.rel @p0 .LBB2_1-.Ltmp1, $4  }
0x136: {  	[hbm4b:s8+s2] =	stream.linear.scatter [tilespmem:s31], [sflag:$0x3], $0x4000, $0x38;
	[tilespmem:$0xC300] =	vst v63  }
0x137: {  	_ =	swait.ge [sflag:s10], $0x4000  }
0x138: {  	[sflag:s10] =	ssyncset.done $0x0  }
0x139: {  	[sflag:s10] =	ssyncadd.s32 $0xFFFFC000  }
0x13a: {  	_ =	sfence.sel $0x180000  }
0x13b: {  	[bflag:$0x0] =	sbarrier.arrive $0xFFFF  }
0x13c: {  	_ =	strace $0x90000047  }
0x13d: {  	s0 =	stileid.u32;
	[bflag:$0x2] =	sbarrier.arrive $0xFFFF  }
0x13e: {  	p0 =	sne.s32 s0, $0x0;
	s0 =	rddreg [dreg:$0x2]  }
0x13f: {  	s0 =	sadd.s32 @!p0 $0x100000, s0  }
0x140: {  	[sflag:s0] =	ssyncadd.tile.s32 @!p0 $0x1;
	_ =	shalt  }
.Lfunc_end2:
_tile_overlayer_lowered:
.L_overlay_start_2:
0x141: {  	(tag) =	ssettag $0x2  }
0x142: {  	s0 =	rddreg [dreg:$0x0];
	s2 =	stileid.u32  }
0x143: {  	s1 =	rddreg [dreg:$0x1];
	p0 =	sne.s32 s2, $0x0  }
0x144: {  	s3 =	rddreg [dreg:$0x2];
	[bflag:$0x3] =	sbarrier.arrive $0xFFFF;
	s2 =	simm.s32 @!p0 $0x1C03  }
0x145: {  	[timem:s3], [sflag:s2] =	dma.local @!p0 [hbm:s0], s1  }
0x146: {  	s0 =	simm.s32 @!p0 $0x3  }
0x147: {  	_ =	swait.ge @!p0 [sflag:s0], s1  }
0x148: {  	s1 =	ssub.s32 @!p0 $0x0, s1;
	[sflag:s0] =	ssyncset.done @!p0 $0x0  }
0x149: {  	[sflag:s0] =	ssyncadd.s32 @!p0 s1  }
0x14a: {  	[bflag:$0x3] =	sbarrier.arrive $0xFFFF  }
0x14b: {  	_ =	shalt  }

</sc_bundles>
